<compile_context>
chip_gen: v7x
topology: tpu7x:2x2x1
jax: 0.10.2.dev20260603
libtpu: 0.0.44.dev20260713+nightly
codegen_flags: <defaults>
</compile_context>

<pallas_src>
import functools

import jax
import jax.numpy as jnp
from jax import lax
from jax.experimental import pallas as pl
from jax.experimental.pallas import tpu as pltpu
from jax.experimental.pallas import tpu_sc as plsc

EMBED_DIM = 128
NUM_CORES = 2
NUM_SUBCORES = 16
NUM_WORKERS = NUM_CORES * NUM_SUBCORES
CHUNK = 160
NBUF = 5


def _gather_sc(table, flat_ids):
    n = flat_ids.shape[0]
    per_worker = n // NUM_WORKERS
    nchunks = per_worker // CHUNK
    assert per_worker % CHUNK == 0 and nchunks % NBUF == 0
    mesh = plsc.VectorSubcoreMesh(core_axis_name="c", subcore_axis_name="s")

    @functools.partial(
        pl.kernel,
        mesh=mesh,
        out_type=jax.ShapeDtypeStruct((n, EMBED_DIM), table.dtype),
        scratch_types=(
            [pltpu.VMEM((CHUNK,), jnp.int32) for _ in range(NBUF)]
            + [
                pltpu.VMEM((NBUF, CHUNK, EMBED_DIM), jnp.float32),
                pltpu.SemaphoreType.DMA((NBUF,)),
                pltpu.SemaphoreType.DMA((NBUF,)),
                pltpu.SemaphoreType.DMA((NBUF,)),
            ]
        ),
    )
    def gather_kernel(table_hbm, ids_hbm, out_hbm, ib0, ib1, ib2, ib3,
                      ib4, bufs, isems, gsems, wsems):
        ibufs = [ib0, ib1, ib2, ib3, ib4]
        wid = lax.axis_index("s") * NUM_CORES + lax.axis_index("c")

        def row0(c):
            return (c * NUM_WORKERS + wid) * CHUNK

        def start_idx(c, b):
            pltpu.async_copy(ids_hbm.at[pl.ds(row0(c), CHUNK)],
                             ibufs[b], isems.at[b])

        def wait_idx(c, b):
            pltpu.make_async_copy(ids_hbm.at[pl.ds(row0(c), CHUNK)],
                                  ibufs[b], isems.at[b]).wait()

        def start_gather(b):
            pltpu.async_copy(table_hbm.at[ibufs[b]], bufs.at[b],
                             gsems.at[b])

        def wait_gather(b):
            pltpu.make_async_copy(table_hbm.at[ibufs[b]], bufs.at[b],
                                  gsems.at[b]).wait()

        def start_write(c, b):
            pltpu.async_copy(bufs.at[b], out_hbm.at[pl.ds(row0(c), CHUNK)],
                             wsems.at[b])

        def wait_write(c, b):
            pltpu.make_async_copy(bufs.at[b],
                                  out_hbm.at[pl.ds(row0(c), CHUNK)],
                                  wsems.at[b]).wait()

        for b in range(NBUF):
            start_idx(b, b)
        for b in range(NBUF):
            wait_idx(b, b)
            start_gather(b)

        @pl.loop(0, nchunks, step=NBUF)
        def _(g):
            for b in range(NBUF):
                wait_gather(b)

                @pl.when(g + b + NBUF < nchunks)
                def _():
                    start_idx(g + b + NBUF, b)

                start_write(g + b, b)
            for b in range(NBUF):
                @pl.when(g + b + NBUF < nchunks)
                def _():
                    wait_write(g + b, b)
                    wait_idx(g + b + NBUF, b)
                    start_gather(b)

        for b in range(NBUF):
            wait_write(nchunks - NBUF + b, b)

    return gather_kernel(table, flat_ids)


def kernel(token_ids, table):
    batch, seq = token_ids.shape
    flat = token_ids.reshape(batch * seq).astype(jnp.int32)
    out = _gather_sc(table, flat)
    return out.reshape(batch, seq, EMBED_DIM)

# --- scband reference (transcript-rebuilt; emitter-appended) ---
"""Pipeline reference for scband-bert-embedding-67731634258155 (READ-ONLY COPY).

The authoritative reference and input builder live on the scoring server;
editing this copy changes nothing except your own understanding.
"""

import jax, jax.numpy as jnp
import numpy as np

VOCAB = 100000
EMBED_DIM = 128
BATCH = 4096
SEQ = 200

def setup_inputs(seed: int = 0) -> dict:
    key = jax.random.key(seed)
    k1, k2 = jax.random.split(key)
    token_ids = jax.random.randint(k1, (BATCH, SEQ), 0, VOCAB, dtype=jnp.int64) if jax.config.jax_enable_x64 else jax.random.randint(k1, (BATCH, SEQ), 0, VOCAB, dtype=jnp.int32)
    table = jax.random.normal(k2, (VOCAB, EMBED_DIM), dtype=jnp.float32)
    return {"token_ids": token_ids, "table": table}

def reference(token_ids, table):
    # Faithful translation of BertEmbedding.forward: nn.Embedding lookup
    return jnp.take(table, token_ids, axis=0)

if __name__ == "__main__":
    import jax
    _d = setup_inputs()
    print(jax.jit(kernel)(*tuple(_d.values())))

</pallas_src>

<mosaic_0001>
#map = affine_map<(d0, d1) -> (0, 0)>
#map1 = affine_map<(d0, d1) -> (0)>
module attributes {stable_mosaic.version = 14 : i64} {
  func.func @gather_kernel(%arg0: i32, %arg1: i32, %arg2: memref<100000x128xf32, #tpu.memory_space<hbm>>, %arg3: memref<819200xi32, #tpu.memory_space<hbm>>, %arg4: memref<819200x128xf32, #tpu.memory_space<hbm>>, %arg5: memref<160xi32, #tpu.memory_space<vmem>>, %arg6: memref<160xi32, #tpu.memory_space<vmem>>, %arg7: memref<160xi32, #tpu.memory_space<vmem>>, %arg8: memref<160xi32, #tpu.memory_space<vmem>>, %arg9: memref<160xi32, #tpu.memory_space<vmem>>, %arg10: memref<5x160x128xf32, #tpu.memory_space<vmem>>, %arg11: memref<5x!tpu.dma_semaphore, #tpu.memory_space<semaphore_mem>>, %arg12: memref<5x!tpu.dma_semaphore, #tpu.memory_space<semaphore_mem>>, %arg13: memref<5x!tpu.dma_semaphore, #tpu.memory_space<semaphore_mem>>) attributes {dimension_semantics = [#tpu.dimension_semantics<core_parallel>, #tpu.dimension_semantics<subcore_parallel>], iteration_bounds = array<i64: 2, 16>, scalar_prefetch = 0 : i64, scratch_operands = 9 : i64, tpu.core_type = #tpu.core_type<sc_vector_subcore>, window_params = [{transform_indices = #map}, {transform_indices = #map1}, {transform_indices = #map}]} {
    %mul3A = arith.constant 2 : i32
    %mul3A_0 = arith.muli %arg1, %mul3A : i32
    %add3A = arith.addi %mul3A_0, %arg0 : i32
    %add3A_1 = arith.constant 0 : i32
    %add3A_2 = arith.addi %add3A_1, %add3A : i32
    %mul3A_3 = arith.constant 160 : i32
    %mul3A_4 = arith.muli %add3A_2, %mul3A_3 : i32
    %dma_start3A = arith.constant 0 : i32
    %dma_start3A_5 = tpu.memref_slice %arg3[%mul3A_4] : memref<819200xi32, #tpu.memory_space<hbm>> -> memref<160xi32, #tpu.memory_space<hbm>>
    %dma_start3A_6 = tpu.memref_slice %arg11[%dma_start3A] : memref<5x!tpu.dma_semaphore, #tpu.memory_space<semaphore_mem>> -> memref<1x!tpu.dma_semaphore, #tpu.memory_space<semaphore_mem>>
    %dma_start3A_7 = tpu.memref_squeeze %dma_start3A_6 : memref<1x!tpu.dma_semaphore, #tpu.memory_space<semaphore_mem>> -> memref<!tpu.dma_semaphore, #tpu.memory_space<semaphore_mem>>
    %dma_start3A_8 = tpu.memref_slice %arg3[%mul3A_4] : memref<819200xi32, #tpu.memory_space<hbm>> -> memref<160xi32, #tpu.memory_space<hbm>>
    tpu.enqueue_dma source(%dma_start3A_8 : memref<160xi32, #tpu.memory_space<hbm>>) target(%arg5 : memref<160xi32, #tpu.memory_space<vmem>>) target_semaphore(%dma_start3A_7 : memref<!tpu.dma_semaphore, #tpu.memory_space<semaphore_mem>>)
    %add3A_9 = arith.constant 32 : i32
    %add3A_10 = arith.addi %add3A_9, %add3A : i32
    %mul3A_11 = arith.constant 160 : i32
    %mul3A_12 = arith.muli %add3A_10, %mul3A_11 : i32
    %dma_start3A_13 = arith.constant 1 : i32
    %dma_start3A_14 = tpu.memref_slice %arg3[%mul3A_12] : memref<819200xi32, #tpu.memory_space<hbm>> -> memref<160xi32, #tpu.memory_space<hbm>>
    %dma_start3A_15 = tpu.memref_slice %arg11[%dma_start3A_13] : memref<5x!tpu.dma_semaphore, #tpu.memory_space<semaphore_mem>> -> memref<1x!tpu.dma_semaphore, #tpu.memory_space<semaphore_mem>>
    %dma_start3A_16 = tpu.memref_squeeze %dma_start3A_15 : memref<1x!tpu.dma_semaphore, #tpu.memory_space<semaphore_mem>> -> memref<!tpu.dma_semaphore, #tpu.memory_space<semaphore_mem>>
    %dma_start3A_17 = tpu.memref_slice %arg3[%mul3A_12] : memref<819200xi32, #tpu.memory_space<hbm>> -> memref<160xi32, #tpu.memory_space<hbm>>
    tpu.enqueue_dma source(%dma_start3A_17 : memref<160xi32, #tpu.memory_space<hbm>>) target(%arg6 : memref<160xi32, #tpu.memory_space<vmem>>) target_semaphore(%dma_start3A_16 : memref<!tpu.dma_semaphore, #tpu.memory_space<semaphore_mem>>)
    %add3A_18 = arith.constant 64 : i32
    %add3A_19 = arith.addi %add3A_18, %add3A : i32
    %mul3A_20 = arith.constant 160 : i32
    %mul3A_21 = arith.muli %add3A_19, %mul3A_20 : i32
    %dma_start3A_22 = arith.constant 2 : i32
    %dma_start3A_23 = tpu.memref_slice %arg3[%mul3A_21] : memref<819200xi32, #tpu.memory_space<hbm>> -> memref<160xi32, #tpu.memory_space<hbm>>
    %dma_start3A_24 = tpu.memref_slice %arg11[%dma_start3A_22] : memref<5x!tpu.dma_semaphore, #tpu.memory_space<semaphore_mem>> -> memref<1x!tpu.dma_semaphore, #tpu.memory_space<semaphore_mem>>
    %dma_start3A_25 = tpu.memref_squeeze %dma_start3A_24 : memref<1x!tpu.dma_semaphore, #tpu.memory_space<semaphore_mem>> -> memref<!tpu.dma_semaphore, #tpu.memory_space<semaphore_mem>>
    %dma_start3A_26 = tpu.memref_slice %arg3[%mul3A_21] : memref<819200xi32, #tpu.memory_space<hbm>> -> memref<160xi32, #tpu.memory_space<hbm>>
    tpu.enqueue_dma source(%dma_start3A_26 : memref<160xi32, #tpu.memory_space<hbm>>) target(%arg7 : memref<160xi32, #tpu.memory_space<vmem>>) target_semaphore(%dma_start3A_25 : memref<!tpu.dma_semaphore, #tpu.memory_space<semaphore_mem>>)
    %add3A_27 = arith.constant 96 : i32
    %add3A_28 = arith.addi %add3A_27, %add3A : i32
    %mul3A_29 = arith.constant 160 : i32
    %mul3A_30 = arith.muli %add3A_28, %mul3A_29 : i32
    %dma_start3A_31 = arith.constant 3 : i32
    %dma_start3A_32 = tpu.memref_slice %arg3[%mul3A_30] : memref<819200xi32, #tpu.memory_space<hbm>> -> memref<160xi32, #tpu.memory_space<hbm>>
    %dma_start3A_33 = tpu.memref_slice %arg11[%dma_start3A_31] : memref<5x!tpu.dma_semaphore, #tpu.memory_space<semaphore_mem>> -> memref<1x!tpu.dma_semaphore, #tpu.memory_space<semaphore_mem>>
    %dma_start3A_34 = tpu.memref_squeeze %dma_start3A_33 : memref<1x!tpu.dma_semaphore, #tpu.memory_space<semaphore_mem>> -> memref<!tpu.dma_semaphore, #tpu.memory_space<semaphore_mem>>
    %dma_start3A_35 = tpu.memref_slice %arg3[%mul3A_30] : memref<819200xi32, #tpu.memory_space<hbm>> -> memref<160xi32, #tpu.memory_space<hbm>>
    tpu.enqueue_dma source(%dma_start3A_35 : memref<160xi32, #tpu.memory_space<hbm>>) target(%arg8 : memref<160xi32, #tpu.memory_space<vmem>>) target_semaphore(%dma_start3A_34 : memref<!tpu.dma_semaphore, #tpu.memory_space<semaphore_mem>>)
    %add3A_36 = arith.constant 128 : i32
    %add3A_37 = arith.addi %add3A_36, %add3A : i32
    %mul3A_38 = arith.constant 160 : i32
    %mul3A_39 = arith.muli %add3A_37, %mul3A_38 : i32
    %dma_start3A_40 = arith.constant 4 : i32
    %dma_start3A_41 = tpu.memref_slice %arg3[%mul3A_39] : memref<819200xi32, #tpu.memory_space<hbm>> -> memref<160xi32, #tpu.memory_space<hbm>>
    %dma_start3A_42 = tpu.memref_slice %arg11[%dma_start3A_40] : memref<5x!tpu.dma_semaphore, #tpu.memory_space<semaphore_mem>> -> memref<1x!tpu.dma_semaphore, #tpu.memory_space<semaphore_mem>>
    %dma_start3A_43 = tpu.memref_squeeze %dma_start3A_42 : memref<1x!tpu.dma_semaphore, #tpu.memory_space<semaphore_mem>> -> memref<!tpu.dma_semaphore, #tpu.memory_space<semaphore_mem>>
    %dma_start3A_44 = tpu.memref_slice %arg3[%mul3A_39] : memref<819200xi32, #tpu.memory_space<hbm>> -> memref<160xi32, #tpu.memory_space<hbm>>
    tpu.enqueue_dma source(%dma_start3A_44 : memref<160xi32, #tpu.memory_space<hbm>>) target(%arg9 : memref<160xi32, #tpu.memory_space<vmem>>) target_semaphore(%dma_start3A_43 : memref<!tpu.dma_semaphore, #tpu.memory_space<semaphore_mem>>)
    %add3A_45 = arith.constant 0 : i32
    %add3A_46 = arith.addi %add3A_45, %add3A : i32
    %mul3A_47 = arith.constant 160 : i32
    %mul3A_48 = arith.muli %add3A_46, %mul3A_47 : i32
    %dma_wait3A = arith.constant 0 : i32
    %dma_wait3A_49 = tpu.memref_slice %arg3[%mul3A_48] : memref<819200xi32, #tpu.memory_space<hbm>> -> memref<160xi32, #tpu.memory_space<hbm>>
    %dma_wait3A_50 = tpu.memref_slice %arg11[%dma_wait3A] : memref<5x!tpu.dma_semaphore, #tpu.memory_space<semaphore_mem>> -> memref<1x!tpu.dma_semaphore, #tpu.memory_space<semaphore_mem>>
    %dma_wait3A_51 = tpu.memref_squeeze %dma_wait3A_50 : memref<1x!tpu.dma_semaphore, #tpu.memory_space<semaphore_mem>> -> memref<!tpu.dma_semaphore, #tpu.memory_space<semaphore_mem>>
    %dma_wait3A_52 = tpu.memref_slice %arg3[%mul3A_48] : memref<819200xi32, #tpu.memory_space<hbm>> -> memref<160xi32, #tpu.memory_space<hbm>>
    tpu.wait_dma2 semaphore(%dma_wait3A_51 : memref<!tpu.dma_semaphore, #tpu.memory_space<semaphore_mem>>) src(%dma_wait3A_52 : memref<160xi32, #tpu.memory_space<hbm>>) dst(%arg5 : memref<160xi32, #tpu.memory_space<vmem>>)
    %dma_start3A_53 = arith.constant 0 : i32
    %dma_start3A_54 = arith.constant 0 : i32
    %dma_start3A_55 = arith.constant 0 : i32
    %dma_start3A_56 = arith.constant 0 : i32
    %dma_start3A_57 = tpu.memref_slice %arg10[%dma_start3A_53, %dma_start3A_55, %dma_start3A_56] : memref<5x160x128xf32, #tpu.memory_space<vmem>> -> memref<1x160x128xf32, #tpu.memory_space<vmem>>
    %dma_start3A_58 = tpu.memref_squeeze %dma_start3A_57 : memref<1x160x128xf32, #tpu.memory_space<vmem>> -> memref<160x128xf32, #tpu.memory_space<vmem>>
    %dma_start3A_59 = arith.constant 0 : i32
    %dma_start3A_60 = arith.constant 0 : i32
    %dma_start3A_61 = tpu.memref_slice %arg2[%dma_start3A_59, %dma_start3A_60] : memref<100000x128xf32, #tpu.memory_space<hbm>> -> memref<100000x128xf32, #tpu.memory_space<hbm>>
    %dma_start3A_62 = tpu.memref_slice %arg12[%dma_start3A_54] : memref<5x!tpu.dma_semaphore, #tpu.memory_space<semaphore_mem>> -> memref<1x!tpu.dma_semaphore, #tpu.memory_space<semaphore_mem>>
    %dma_start3A_63 = tpu.memref_squeeze %dma_start3A_62 : memref<1x!tpu.dma_semaphore, #tpu.memory_space<semaphore_mem>> -> memref<!tpu.dma_semaphore, #tpu.memory_space<semaphore_mem>>
    tpu.enqueue_indirect_dma source(%dma_start3A_61 : memref<100000x128xf32, #tpu.memory_space<hbm>>) target(%dma_start3A_58 : memref<160x128xf32, #tpu.memory_space<vmem>>) offsets(%arg5 : memref<160xi32, #tpu.memory_space<vmem>>) semaphore(%dma_start3A_63 : memref<!tpu.dma_semaphore, #tpu.memory_space<semaphore_mem>>)
    %add3A_64 = arith.constant 32 : i32
    %add3A_65 = arith.addi %add3A_64, %add3A : i32
    %mul3A_66 = arith.constant 160 : i32
    %mul3A_67 = arith.muli %add3A_65, %mul3A_66 : i32
    %dma_wait3A_68 = arith.constant 1 : i32
    %dma_wait3A_69 = tpu.memref_slice %arg3[%mul3A_67] : memref<819200xi32, #tpu.memory_space<hbm>> -> memref<160xi32, #tpu.memory_space<hbm>>
    %dma_wait3A_70 = tpu.memref_slice %arg11[%dma_wait3A_68] : memref<5x!tpu.dma_semaphore, #tpu.memory_space<semaphore_mem>> -> memref<1x!tpu.dma_semaphore, #tpu.memory_space<semaphore_mem>>
    %dma_wait3A_71 = tpu.memref_squeeze %dma_wait3A_70 : memref<1x!tpu.dma_semaphore, #tpu.memory_space<semaphore_mem>> -> memref<!tpu.dma_semaphore, #tpu.memory_space<semaphore_mem>>
    %dma_wait3A_72 = tpu.memref_slice %arg3[%mul3A_67] : memref<819200xi32, #tpu.memory_space<hbm>> -> memref<160xi32, #tpu.memory_space<hbm>>
    tpu.wait_dma2 semaphore(%dma_wait3A_71 : memref<!tpu.dma_semaphore, #tpu.memory_space<semaphore_mem>>) src(%dma_wait3A_72 : memref<160xi32, #tpu.memory_space<hbm>>) dst(%arg6 : memref<160xi32, #tpu.memory_space<vmem>>)
    %dma_start3A_73 = arith.constant 1 : i32
    %dma_start3A_74 = arith.constant 1 : i32
    %dma_start3A_75 = arith.constant 0 : i32
    %dma_start3A_76 = arith.constant 0 : i32
    %dma_start3A_77 = tpu.memref_slice %arg10[%dma_start3A_73, %dma_start3A_75, %dma_start3A_76] : memref<5x160x128xf32, #tpu.memory_space<vmem>> -> memref<1x160x128xf32, #tpu.memory_space<vmem>>
    %dma_start3A_78 = tpu.memref_squeeze %dma_start3A_77 : memref<1x160x128xf32, #tpu.memory_space<vmem>> -> memref<160x128xf32, #tpu.memory_space<vmem>>
    %dma_start3A_79 = arith.constant 0 : i32
    %dma_start3A_80 = arith.constant 0 : i32
    %dma_start3A_81 = tpu.memref_slice %arg2[%dma_start3A_79, %dma_start3A_80] : memref<100000x128xf32, #tpu.memory_space<hbm>> -> memref<100000x128xf32, #tpu.memory_space<hbm>>
    %dma_start3A_82 = tpu.memref_slice %arg12[%dma_start3A_74] : memref<5x!tpu.dma_semaphore, #tpu.memory_space<semaphore_mem>> -> memref<1x!tpu.dma_semaphore, #tpu.memory_space<semaphore_mem>>
    %dma_start3A_83 = tpu.memref_squeeze %dma_start3A_82 : memref<1x!tpu.dma_semaphore, #tpu.memory_space<semaphore_mem>> -> memref<!tpu.dma_semaphore, #tpu.memory_space<semaphore_mem>>
    tpu.enqueue_indirect_dma source(%dma_start3A_81 : memref<100000x128xf32, #tpu.memory_space<hbm>>) target(%dma_start3A_78 : memref<160x128xf32, #tpu.memory_space<vmem>>) offsets(%arg6 : memref<160xi32, #tpu.memory_space<vmem>>) semaphore(%dma_start3A_83 : memref<!tpu.dma_semaphore, #tpu.memory_space<semaphore_mem>>)
    %add3A_84 = arith.constant 64 : i32
    %add3A_85 = arith.addi %add3A_84, %add3A : i32
    %mul3A_86 = arith.constant 160 : i32
    %mul3A_87 = arith.muli %add3A_85, %mul3A_86 : i32
    %dma_wait3A_88 = arith.constant 2 : i32
    %dma_wait3A_89 = tpu.memref_slice %arg3[%mul3A_87] : memref<819200xi32, #tpu.memory_space<hbm>> -> memref<160xi32, #tpu.memory_space<hbm>>
    %dma_wait3A_90 = tpu.memref_slice %arg11[%dma_wait3A_88] : memref<5x!tpu.dma_semaphore, #tpu.memory_space<semaphore_mem>> -> memref<1x!tpu.dma_semaphore, #tpu.memory_space<semaphore_mem>>
    %dma_wait3A_91 = tpu.memref_squeeze %dma_wait3A_90 : memref<1x!tpu.dma_semaphore, #tpu.memory_space<semaphore_mem>> -> memref<!tpu.dma_semaphore, #tpu.memory_space<semaphore_mem>>
    %dma_wait3A_92 = tpu.memref_slice %arg3[%mul3A_87] : memref<819200xi32, #tpu.memory_space<hbm>> -> memref<160xi32, #tpu.memory_space<hbm>>
    tpu.wait_dma2 semaphore(%dma_wait3A_91 : memref<!tpu.dma_semaphore, #tpu.memory_space<semaphore_mem>>) src(%dma_wait3A_92 : memref<160xi32, #tpu.memory_space<hbm>>) dst(%arg7 : memref<160xi32, #tpu.memory_space<vmem>>)
    %dma_start3A_93 = arith.constant 2 : i32
    %dma_start3A_94 = arith.constant 2 : i32
    %dma_start3A_95 = arith.constant 0 : i32
    %dma_start3A_96 = arith.constant 0 : i32
    %dma_start3A_97 = tpu.memref_slice %arg10[%dma_start3A_93, %dma_start3A_95, %dma_start3A_96] : memref<5x160x128xf32, #tpu.memory_space<vmem>> -> memref<1x160x128xf32, #tpu.memory_space<vmem>>
    %dma_start3A_98 = tpu.memref_squeeze %dma_start3A_97 : memref<1x160x128xf32, #tpu.memory_space<vmem>> -> memref<160x128xf32, #tpu.memory_space<vmem>>
    %dma_start3A_99 = arith.constant 0 : i32
    %dma_start3A_100 = arith.constant 0 : i32
    %dma_start3A_101 = tpu.memref_slice %arg2[%dma_start3A_99, %dma_start3A_100] : memref<100000x128xf32, #tpu.memory_space<hbm>> -> memref<100000x128xf32, #tpu.memory_space<hbm>>
    %dma_start3A_102 = tpu.memref_slice %arg12[%dma_start3A_94] : memref<5x!tpu.dma_semaphore, #tpu.memory_space<semaphore_mem>> -> memref<1x!tpu.dma_semaphore, #tpu.memory_space<semaphore_mem>>
    %dma_start3A_103 = tpu.memref_squeeze %dma_start3A_102 : memref<1x!tpu.dma_semaphore, #tpu.memory_space<semaphore_mem>> -> memref<!tpu.dma_semaphore, #tpu.memory_space<semaphore_mem>>
    tpu.enqueue_indirect_dma source(%dma_start3A_101 : memref<100000x128xf32, #tpu.memory_space<hbm>>) target(%dma_start3A_98 : memref<160x128xf32, #tpu.memory_space<vmem>>) offsets(%arg7 : memref<160xi32, #tpu.memory_space<vmem>>) semaphore(%dma_start3A_103 : memref<!tpu.dma_semaphore, #tpu.memory_space<semaphore_mem>>)
    %add3A_104 = arith.constant 96 : i32
    %add3A_105 = arith.addi %add3A_104, %add3A : i32
    %mul3A_106 = arith.constant 160 : i32
    %mul3A_107 = arith.muli %add3A_105, %mul3A_106 : i32
    %dma_wait3A_108 = arith.constant 3 : i32
    %dma_wait3A_109 = tpu.memref_slice %arg3[%mul3A_107] : memref<819200xi32, #tpu.memory_space<hbm>> -> memref<160xi32, #tpu.memory_space<hbm>>
    %dma_wait3A_110 = tpu.memref_slice %arg11[%dma_wait3A_108] : memref<5x!tpu.dma_semaphore, #tpu.memory_space<semaphore_mem>> -> memref<1x!tpu.dma_semaphore, #tpu.memory_space<semaphore_mem>>
    %dma_wait3A_111 = tpu.memref_squeeze %dma_wait3A_110 : memref<1x!tpu.dma_semaphore, #tpu.memory_space<semaphore_mem>> -> memref<!tpu.dma_semaphore, #tpu.memory_space<semaphore_mem>>
    %dma_wait3A_112 = tpu.memref_slice %arg3[%mul3A_107] : memref<819200xi32, #tpu.memory_space<hbm>> -> memref<160xi32, #tpu.memory_space<hbm>>
    tpu.wait_dma2 semaphore(%dma_wait3A_111 : memref<!tpu.dma_semaphore, #tpu.memory_space<semaphore_mem>>) src(%dma_wait3A_112 : memref<160xi32, #tpu.memory_space<hbm>>) dst(%arg8 : memref<160xi32, #tpu.memory_space<vmem>>)
    %dma_start3A_113 = arith.constant 3 : i32
    %dma_start3A_114 = arith.constant 3 : i32
    %dma_start3A_115 = arith.constant 0 : i32
    %dma_start3A_116 = arith.constant 0 : i32
    %dma_start3A_117 = tpu.memref_slice %arg10[%dma_start3A_113, %dma_start3A_115, %dma_start3A_116] : memref<5x160x128xf32, #tpu.memory_space<vmem>> -> memref<1x160x128xf32, #tpu.memory_space<vmem>>
    %dma_start3A_118 = tpu.memref_squeeze %dma_start3A_117 : memref<1x160x128xf32, #tpu.memory_space<vmem>> -> memref<160x128xf32, #tpu.memory_space<vmem>>
    %dma_start3A_119 = arith.constant 0 : i32
    %dma_start3A_120 = arith.constant 0 : i32
    %dma_start3A_121 = tpu.memref_slice %arg2[%dma_start3A_119, %dma_start3A_120] : memref<100000x128xf32, #tpu.memory_space<hbm>> -> memref<100000x128xf32, #tpu.memory_space<hbm>>
    %dma_start3A_122 = tpu.memref_slice %arg12[%dma_start3A_114] : memref<5x!tpu.dma_semaphore, #tpu.memory_space<semaphore_mem>> -> memref<1x!tpu.dma_semaphore, #tpu.memory_space<semaphore_mem>>
    %dma_start3A_123 = tpu.memref_squeeze %dma_start3A_122 : memref<1x!tpu.dma_semaphore, #tpu.memory_space<semaphore_mem>> -> memref<!tpu.dma_semaphore, #tpu.memory_space<semaphore_mem>>
    tpu.enqueue_indirect_dma source(%dma_start3A_121 : memref<100000x128xf32, #tpu.memory_space<hbm>>) target(%dma_start3A_118 : memref<160x128xf32, #tpu.memory_space<vmem>>) offsets(%arg8 : memref<160xi32, #tpu.memory_space<vmem>>) semaphore(%dma_start3A_123 : memref<!tpu.dma_semaphore, #tpu.memory_space<semaphore_mem>>)
    %add3A_124 = arith.constant 128 : i32
    %add3A_125 = arith.addi %add3A_124, %add3A : i32
    %mul3A_126 = arith.constant 160 : i32
    %mul3A_127 = arith.muli %add3A_125, %mul3A_126 : i32
    %dma_wait3A_128 = arith.constant 4 : i32
    %dma_wait3A_129 = tpu.memref_slice %arg3[%mul3A_127] : memref<819200xi32, #tpu.memory_space<hbm>> -> memref<160xi32, #tpu.memory_space<hbm>>
    %dma_wait3A_130 = tpu.memref_slice %arg11[%dma_wait3A_128] : memref<5x!tpu.dma_semaphore, #tpu.memory_space<semaphore_mem>> -> memref<1x!tpu.dma_semaphore, #tpu.memory_space<semaphore_mem>>
    %dma_wait3A_131 = tpu.memref_squeeze %dma_wait3A_130 : memref<1x!tpu.dma_semaphore, #tpu.memory_space<semaphore_mem>> -> memref<!tpu.dma_semaphore, #tpu.memory_space<semaphore_mem>>
    %dma_wait3A_132 = tpu.memref_slice %arg3[%mul3A_127] : memref<819200xi32, #tpu.memory_space<hbm>> -> memref<160xi32, #tpu.memory_space<hbm>>
    tpu.wait_dma2 semaphore(%dma_wait3A_131 : memref<!tpu.dma_semaphore, #tpu.memory_space<semaphore_mem>>) src(%dma_wait3A_132 : memref<160xi32, #tpu.memory_space<hbm>>) dst(%arg9 : memref<160xi32, #tpu.memory_space<vmem>>)
    %dma_start3A_133 = arith.constant 4 : i32
    %dma_start3A_134 = arith.constant 4 : i32
    %dma_start3A_135 = arith.constant 0 : i32
    %dma_start3A_136 = arith.constant 0 : i32
    %dma_start3A_137 = tpu.memref_slice %arg10[%dma_start3A_133, %dma_start3A_135, %dma_start3A_136] : memref<5x160x128xf32, #tpu.memory_space<vmem>> -> memref<1x160x128xf32, #tpu.memory_space<vmem>>
    %dma_start3A_138 = tpu.memref_squeeze %dma_start3A_137 : memref<1x160x128xf32, #tpu.memory_space<vmem>> -> memref<160x128xf32, #tpu.memory_space<vmem>>
    %dma_start3A_139 = arith.constant 0 : i32
    %dma_start3A_140 = arith.constant 0 : i32
    %dma_start3A_141 = tpu.memref_slice %arg2[%dma_start3A_139, %dma_start3A_140] : memref<100000x128xf32, #tpu.memory_space<hbm>> -> memref<100000x128xf32, #tpu.memory_space<hbm>>
    %dma_start3A_142 = tpu.memref_slice %arg12[%dma_start3A_134] : memref<5x!tpu.dma_semaphore, #tpu.memory_space<semaphore_mem>> -> memref<1x!tpu.dma_semaphore, #tpu.memory_space<semaphore_mem>>
    %dma_start3A_143 = tpu.memref_squeeze %dma_start3A_142 : memref<1x!tpu.dma_semaphore, #tpu.memory_space<semaphore_mem>> -> memref<!tpu.dma_semaphore, #tpu.memory_space<semaphore_mem>>
    tpu.enqueue_indirect_dma source(%dma_start3A_141 : memref<100000x128xf32, #tpu.memory_space<hbm>>) target(%dma_start3A_138 : memref<160x128xf32, #tpu.memory_space<vmem>>) offsets(%arg9 : memref<160xi32, #tpu.memory_space<vmem>>) semaphore(%dma_start3A_143 : memref<!tpu.dma_semaphore, #tpu.memory_space<semaphore_mem>>)
    %scan3A = arith.constant 0 : i32
    %scan3A_144 = arith.constant 32 : i32
    %scan3A_145 = arith.addi %scan3A, %scan3A_144 : i32
    %scan3A_146 = arith.constant 1 : i32
    scf.for %scan3A_248 = %scan3A to %scan3A_145 step %scan3A_146  : i32 {
      %mul3A_249 = arith.constant 5 : i32
      %mul3A_250 = arith.muli %scan3A_248, %mul3A_249 : i32
      %add3A_251 = arith.constant 0 : i32
      %add3A_252 = arith.addi %add3A_251, %mul3A_250 : i32
      %dma_wait3A_253 = arith.constant 0 : i32
      %dma_wait3A_254 = arith.constant 0 : i32
      %dma_wait3A_255 = arith.constant 0 : i32
      %dma_wait3A_256 = arith.constant 0 : i32
      %dma_wait3A_257 = tpu.memref_slice %arg10[%dma_wait3A_253, %dma_wait3A_255, %dma_wait3A_256] : memref<5x160x128xf32, #tpu.memory_space<vmem>> -> memref<1x160x128xf32, #tpu.memory_space<vmem>>
      %dma_wait3A_258 = tpu.memref_squeeze %dma_wait3A_257 : memref<1x160x128xf32, #tpu.memory_space<vmem>> -> memref<160x128xf32, #tpu.memory_space<vmem>>
      %dma_wait3A_259 = arith.constant 0 : i32
      %dma_wait3A_260 = arith.constant 0 : i32
      %dma_wait3A_261 = tpu.memref_slice %arg2[%dma_wait3A_259, %dma_wait3A_260] : memref<100000x128xf32, #tpu.memory_space<hbm>> -> memref<100000x128xf32, #tpu.memory_space<hbm>>
      %dma_wait3A_262 = tpu.memref_slice %arg12[%dma_wait3A_254] : memref<5x!tpu.dma_semaphore, #tpu.memory_space<semaphore_mem>> -> memref<1x!tpu.dma_semaphore, #tpu.memory_space<semaphore_mem>>
      %dma_wait3A_263 = tpu.memref_squeeze %dma_wait3A_262 : memref<1x!tpu.dma_semaphore, #tpu.memory_space<semaphore_mem>> -> memref<!tpu.dma_semaphore, #tpu.memory_space<semaphore_mem>>
      tpu.wait_indirect_dma semaphore(%dma_wait3A_263 : memref<!tpu.dma_semaphore, #tpu.memory_space<semaphore_mem>>) src(%dma_wait3A_261 : memref<100000x128xf32, #tpu.memory_space<hbm>>) dst(%dma_wait3A_258 : memref<160x128xf32, #tpu.memory_space<vmem>>)
      %add3A_264 = arith.constant 0 : i32
      %add3A_265 = arith.addi %add3A_252, %add3A_264 : i32
      %add3A_266 = arith.constant 5 : i32
      %add3A_267 = arith.addi %add3A_265, %add3A_266 : i32
      %lt3A = arith.constant 160 : i32
      %lt3A_268 = arith.cmpi slt, %add3A_267, %lt3A : i32
      %convert_element_type3A = arith.extui %lt3A_268 : i1 to i32
      %cond3A = arith.constant 0 : i32
      %cond3A_269 = arith.cmpi ne, %convert_element_type3A, %cond3A : i32
      scf.if %cond3A_269 {
        %add3A_510 = arith.constant 0 : i32
        %add3A_511 = arith.addi %add3A_252, %add3A_510 : i32
        %add3A_512 = arith.constant 5 : i32
        %add3A_513 = arith.addi %add3A_511, %add3A_512 : i32
        %mul3A_514 = arith.constant 32 : i32
        %mul3A_515 = arith.muli %add3A_513, %mul3A_514 : i32
        %add3A_516 = arith.addi %mul3A_515, %add3A : i32
        %mul3A_517 = arith.constant 160 : i32
        %mul3A_518 = arith.muli %add3A_516, %mul3A_517 : i32
        %dma_start3A_519 = arith.constant 0 : i32
        %dma_start3A_520 = tpu.memref_slice %arg3[%mul3A_518] : memref<819200xi32, #tpu.memory_space<hbm>> -> memref<160xi32, #tpu.memory_space<hbm>>
        %dma_start3A_521 = tpu.memref_slice %arg11[%dma_start3A_519] : memref<5x!tpu.dma_semaphore, #tpu.memory_space<semaphore_mem>> -> memref<1x!tpu.dma_semaphore, #tpu.memory_space<semaphore_mem>>
        %dma_start3A_522 = tpu.memref_squeeze %dma_start3A_521 : memref<1x!tpu.dma_semaphore, #tpu.memory_space<semaphore_mem>> -> memref<!tpu.dma_semaphore, #tpu.memory_space<semaphore_mem>>
        %dma_start3A_523 = tpu.memref_slice %arg3[%mul3A_518] : memref<819200xi32, #tpu.memory_space<hbm>> -> memref<160xi32, #tpu.memory_space<hbm>>
        tpu.enqueue_dma source(%dma_start3A_523 : memref<160xi32, #tpu.memory_space<hbm>>) target(%arg5 : memref<160xi32, #tpu.memory_space<vmem>>) target_semaphore(%dma_start3A_522 : memref<!tpu.dma_semaphore, #tpu.memory_space<semaphore_mem>>)
      } else {
      }
      %add3A_270 = arith.constant 0 : i32
      %add3A_271 = arith.addi %add3A_252, %add3A_270 : i32
      %mul3A_272 = arith.constant 32 : i32
      %mul3A_273 = arith.muli %add3A_271, %mul3A_272 : i32
      %add3A_274 = arith.addi %mul3A_273, %add3A : i32
      %mul3A_275 = arith.constant 160 : i32
      %mul3A_276 = arith.muli %add3A_274, %mul3A_275 : i32
      %dma_start3A_277 = arith.constant 0 : i32
      %dma_start3A_278 = arith.constant 0 : i32
      %dma_start3A_279 = arith.constant 0 : i32
      %dma_start3A_280 = arith.constant 0 : i32
      %dma_start3A_281 = tpu.memref_slice %arg10[%dma_start3A_277, %dma_start3A_279, %dma_start3A_280] : memref<5x160x128xf32, #tpu.memory_space<vmem>> -> memref<1x160x128xf32, #tpu.memory_space<vmem>>
      %dma_start3A_282 = tpu.memref_squeeze %dma_start3A_281 : memref<1x160x128xf32, #tpu.memory_space<vmem>> -> memref<160x128xf32, #tpu.memory_space<vmem>>
      %dma_start3A_283 = arith.constant 0 : i32
      %dma_start3A_284 = tpu.memref_slice %arg4[%mul3A_276, %dma_start3A_283] : memref<819200x128xf32, #tpu.memory_space<hbm>> -> memref<160x128xf32, #tpu.memory_space<hbm>>
      %dma_start3A_285 = tpu.memref_slice %arg13[%dma_start3A_278] : memref<5x!tpu.dma_semaphore, #tpu.memory_space<semaphore_mem>> -> memref<1x!tpu.dma_semaphore, #tpu.memory_space<semaphore_mem>>
      %dma_start3A_286 = tpu.memref_squeeze %dma_start3A_285 : memref<1x!tpu.dma_semaphore, #tpu.memory_space<semaphore_mem>> -> memref<!tpu.dma_semaphore, #tpu.memory_space<semaphore_mem>>
      %dma_start3A_287 = arith.constant 0 : i32
      %dma_start3A_288 = tpu.memref_slice %arg4[%mul3A_276, %dma_start3A_287] : memref<819200x128xf32, #tpu.memory_space<hbm>> -> memref<160x128xf32, #tpu.memory_space<hbm>>
      %dma_start3A_289 = arith.constant 0 : i32
      %dma_start3A_290 = arith.constant 0 : i32
      %dma_start3A_291 = tpu.memref_slice %arg10[%dma_start3A_277, %dma_start3A_289, %dma_start3A_290] : memref<5x160x128xf32, #tpu.memory_space<vmem>> -> memref<1x160x128xf32, #tpu.memory_space<vmem>>
      %dma_start3A_292 = tpu.memref_squeeze %dma_start3A_291 : memref<1x160x128xf32, #tpu.memory_space<vmem>> -> memref<160x128xf32, #tpu.memory_space<vmem>>
      tpu.enqueue_dma source(%dma_start3A_292 : memref<160x128xf32, #tpu.memory_space<vmem>>) target(%dma_start3A_288 : memref<160x128xf32, #tpu.memory_space<hbm>>) target_semaphore(%dma_start3A_286 : memref<!tpu.dma_semaphore, #tpu.memory_space<semaphore_mem>>)
      %dma_wait3A_293 = arith.constant 1 : i32
      %dma_wait3A_294 = arith.constant 1 : i32
      %dma_wait3A_295 = arith.constant 0 : i32
      %dma_wait3A_296 = arith.constant 0 : i32
      %dma_wait3A_297 = tpu.memref_slice %arg10[%dma_wait3A_293, %dma_wait3A_295, %dma_wait3A_296] : memref<5x160x128xf32, #tpu.memory_space<vmem>> -> memref<1x160x128xf32, #tpu.memory_space<vmem>>
      %dma_wait3A_298 = tpu.memref_squeeze %dma_wait3A_297 : memref<1x160x128xf32, #tpu.memory_space<vmem>> -> memref<160x128xf32, #tpu.memory_space<vmem>>
      %dma_wait3A_299 = arith.constant 0 : i32
      %dma_wait3A_300 = arith.constant 0 : i32
      %dma_wait3A_301 = tpu.memref_slice %arg2[%dma_wait3A_299, %dma_wait3A_300] : memref<100000x128xf32, #tpu.memory_space<hbm>> -> memref<100000x128xf32, #tpu.memory_space<hbm>>
      %dma_wait3A_302 = tpu.memref_slice %arg12[%dma_wait3A_294] : memref<5x!tpu.dma_semaphore, #tpu.memory_space<semaphore_mem>> -> memref<1x!tpu.dma_semaphore, #tpu.memory_space<semaphore_mem>>
      %dma_wait3A_303 = tpu.memref_squeeze %dma_wait3A_302 : memref<1x!tpu.dma_semaphore, #tpu.memory_space<semaphore_mem>> -> memref<!tpu.dma_semaphore, #tpu.memory_space<semaphore_mem>>
      tpu.wait_indirect_dma semaphore(%dma_wait3A_303 : memref<!tpu.dma_semaphore, #tpu.memory_space<semaphore_mem>>) src(%dma_wait3A_301 : memref<100000x128xf32, #tpu.memory_space<hbm>>) dst(%dma_wait3A_298 : memref<160x128xf32, #tpu.memory_space<vmem>>)
      %add3A_304 = arith.constant 1 : i32
      %add3A_305 = arith.addi %add3A_252, %add3A_304 : i32
      %add3A_306 = arith.constant 5 : i32
      %add3A_307 = arith.addi %add3A_305, %add3A_306 : i32
      %lt3A_308 = arith.constant 160 : i32
      %lt3A_309 = arith.cmpi slt, %add3A_307, %lt3A_308 : i32
      %convert_element_type3A_310 = arith.extui %lt3A_309 : i1 to i32
      %cond3A_311 = arith.constant 0 : i32
      %cond3A_312 = arith.cmpi ne, %convert_element_type3A_310, %cond3A_311 : i32
      scf.if %cond3A_312 {
        %add3A_510 = arith.constant 1 : i32
        %add3A_511 = arith.addi %add3A_252, %add3A_510 : i32
        %add3A_512 = arith.constant 5 : i32
        %add3A_513 = arith.addi %add3A_511, %add3A_512 : i32
        %mul3A_514 = arith.constant 32 : i32
        %mul3A_515 = arith.muli %add3A_513, %mul3A_514 : i32
        %add3A_516 = arith.addi %mul3A_515, %add3A : i32
        %mul3A_517 = arith.constant 160 : i32
        %mul3A_518 = arith.muli %add3A_516, %mul3A_517 : i32
        %dma_start3A_519 = arith.constant 1 : i32
        %dma_start3A_520 = tpu.memref_slice %arg3[%mul3A_518] : memref<819200xi32, #tpu.memory_space<hbm>> -> memref<160xi32, #tpu.memory_space<hbm>>
        %dma_start3A_521 = tpu.memref_slice %arg11[%dma_start3A_519] : memref<5x!tpu.dma_semaphore, #tpu.memory_space<semaphore_mem>> -> memref<1x!tpu.dma_semaphore, #tpu.memory_space<semaphore_mem>>
        %dma_start3A_522 = tpu.memref_squeeze %dma_start3A_521 : memref<1x!tpu.dma_semaphore, #tpu.memory_space<semaphore_mem>> -> memref<!tpu.dma_semaphore, #tpu.memory_space<semaphore_mem>>
        %dma_start3A_523 = tpu.memref_slice %arg3[%mul3A_518] : memref<819200xi32, #tpu.memory_space<hbm>> -> memref<160xi32, #tpu.memory_space<hbm>>
        tpu.enqueue_dma source(%dma_start3A_523 : memref<160xi32, #tpu.memory_space<hbm>>) target(%arg6 : memref<160xi32, #tpu.memory_space<vmem>>) target_semaphore(%dma_start3A_522 : memref<!tpu.dma_semaphore, #tpu.memory_space<semaphore_mem>>)
      } else {
      }
      %add3A_313 = arith.constant 1 : i32
      %add3A_314 = arith.addi %add3A_252, %add3A_313 : i32
      %mul3A_315 = arith.constant 32 : i32
      %mul3A_316 = arith.muli %add3A_314, %mul3A_315 : i32
      %add3A_317 = arith.addi %mul3A_316, %add3A : i32
      %mul3A_318 = arith.constant 160 : i32
      %mul3A_319 = arith.muli %add3A_317, %mul3A_318 : i32
      %dma_start3A_320 = arith.constant 1 : i32
      %dma_start3A_321 = arith.constant 1 : i32
      %dma_start3A_322 = arith.constant 0 : i32
      %dma_start3A_323 = arith.constant 0 : i32
      %dma_start3A_324 = tpu.memref_slice %arg10[%dma_start3A_320, %dma_start3A_322, %dma_start3A_323] : memref<5x160x128xf32, #tpu.memory_space<vmem>> -> memref<1x160x128xf32, #tpu.memory_space<vmem>>
      %dma_start3A_325 = tpu.memref_squeeze %dma_start3A_324 : memref<1x160x128xf32, #tpu.memory_space<vmem>> -> memref<160x128xf32, #tpu.memory_space<vmem>>
      %dma_start3A_326 = arith.constant 0 : i32
      %dma_start3A_327 = tpu.memref_slice %arg4[%mul3A_319, %dma_start3A_326] : memref<819200x128xf32, #tpu.memory_space<hbm>> -> memref<160x128xf32, #tpu.memory_space<hbm>>
      %dma_start3A_328 = tpu.memref_slice %arg13[%dma_start3A_321] : memref<5x!tpu.dma_semaphore, #tpu.memory_space<semaphore_mem>> -> memref<1x!tpu.dma_semaphore, #tpu.memory_space<semaphore_mem>>
      %dma_start3A_329 = tpu.memref_squeeze %dma_start3A_328 : memref<1x!tpu.dma_semaphore, #tpu.memory_space<semaphore_mem>> -> memref<!tpu.dma_semaphore, #tpu.memory_space<semaphore_mem>>
      %dma_start3A_330 = arith.constant 0 : i32
      %dma_start3A_331 = tpu.memref_slice %arg4[%mul3A_319, %dma_start3A_330] : memref<819200x128xf32, #tpu.memory_space<hbm>> -> memref<160x128xf32, #tpu.memory_space<hbm>>
      %dma_start3A_332 = arith.constant 0 : i32
      %dma_start3A_333 = arith.constant 0 : i32
      %dma_start3A_334 = tpu.memref_slice %arg10[%dma_start3A_320, %dma_start3A_332, %dma_start3A_333] : memref<5x160x128xf32, #tpu.memory_space<vmem>> -> memref<1x160x128xf32, #tpu.memory_space<vmem>>
      %dma_start3A_335 = tpu.memref_squeeze %dma_start3A_334 : memref<1x160x128xf32, #tpu.memory_space<vmem>> -> memref<160x128xf32, #tpu.memory_space<vmem>>
      tpu.enqueue_dma source(%dma_start3A_335 : memref<160x128xf32, #tpu.memory_space<vmem>>) target(%dma_start3A_331 : memref<160x128xf32, #tpu.memory_space<hbm>>) target_semaphore(%dma_start3A_329 : memref<!tpu.dma_semaphore, #tpu.memory_space<semaphore_mem>>)
      %dma_wait3A_336 = arith.constant 2 : i32
      %dma_wait3A_337 = arith.constant 2 : i32
      %dma_wait3A_338 = arith.constant 0 : i32
      %dma_wait3A_339 = arith.constant 0 : i32
      %dma_wait3A_340 = tpu.memref_slice %arg10[%dma_wait3A_336, %dma_wait3A_338, %dma_wait3A_339] : memref<5x160x128xf32, #tpu.memory_space<vmem>> -> memref<1x160x128xf32, #tpu.memory_space<vmem>>
      %dma_wait3A_341 = tpu.memref_squeeze %dma_wait3A_340 : memref<1x160x128xf32, #tpu.memory_space<vmem>> -> memref<160x128xf32, #tpu.memory_space<vmem>>
      %dma_wait3A_342 = arith.constant 0 : i32
      %dma_wait3A_343 = arith.constant 0 : i32
      %dma_wait3A_344 = tpu.memref_slice %arg2[%dma_wait3A_342, %dma_wait3A_343] : memref<100000x128xf32, #tpu.memory_space<hbm>> -> memref<100000x128xf32, #tpu.memory_space<hbm>>
      %dma_wait3A_345 = tpu.memref_slice %arg12[%dma_wait3A_337] : memref<5x!tpu.dma_semaphore, #tpu.memory_space<semaphore_mem>> -> memref<1x!tpu.dma_semaphore, #tpu.memory_space<semaphore_mem>>
      %dma_wait3A_346 = tpu.memref_squeeze %dma_wait3A_345 : memref<1x!tpu.dma_semaphore, #tpu.memory_space<semaphore_mem>> -> memref<!tpu.dma_semaphore, #tpu.memory_space<semaphore_mem>>
      tpu.wait_indirect_dma semaphore(%dma_wait3A_346 : memref<!tpu.dma_semaphore, #tpu.memory_space<semaphore_mem>>) src(%dma_wait3A_344 : memref<100000x128xf32, #tpu.memory_space<hbm>>) dst(%dma_wait3A_341 : memref<160x128xf32, #tpu.memory_space<vmem>>)
      %add3A_347 = arith.constant 2 : i32
      %add3A_348 = arith.addi %add3A_252, %add3A_347 : i32
      %add3A_349 = arith.constant 5 : i32
      %add3A_350 = arith.addi %add3A_348, %add3A_349 : i32
      %lt3A_351 = arith.constant 160 : i32
      %lt3A_352 = arith.cmpi slt, %add3A_350, %lt3A_351 : i32
      %convert_element_type3A_353 = arith.extui %lt3A_352 : i1 to i32
      %cond3A_354 = arith.constant 0 : i32
      %cond3A_355 = arith.cmpi ne, %convert_element_type3A_353, %cond3A_354 : i32
      scf.if %cond3A_355 {
        %add3A_510 = arith.constant 2 : i32
        %add3A_511 = arith.addi %add3A_252, %add3A_510 : i32
        %add3A_512 = arith.constant 5 : i32
        %add3A_513 = arith.addi %add3A_511, %add3A_512 : i32
        %mul3A_514 = arith.constant 32 : i32
        %mul3A_515 = arith.muli %add3A_513, %mul3A_514 : i32
        %add3A_516 = arith.addi %mul3A_515, %add3A : i32
        %mul3A_517 = arith.constant 160 : i32
        %mul3A_518 = arith.muli %add3A_516, %mul3A_517 : i32
        %dma_start3A_519 = arith.constant 2 : i32
        %dma_start3A_520 = tpu.memref_slice %arg3[%mul3A_518] : memref<819200xi32, #tpu.memory_space<hbm>> -> memref<160xi32, #tpu.memory_space<hbm>>
        %dma_start3A_521 = tpu.memref_slice %arg11[%dma_start3A_519] : memref<5x!tpu.dma_semaphore, #tpu.memory_space<semaphore_mem>> -> memref<1x!tpu.dma_semaphore, #tpu.memory_space<semaphore_mem>>
        %dma_start3A_522 = tpu.memref_squeeze %dma_start3A_521 : memref<1x!tpu.dma_semaphore, #tpu.memory_space<semaphore_mem>> -> memref<!tpu.dma_semaphore, #tpu.memory_space<semaphore_mem>>
        %dma_start3A_523 = tpu.memref_slice %arg3[%mul3A_518] : memref<819200xi32, #tpu.memory_space<hbm>> -> memref<160xi32, #tpu.memory_space<hbm>>
        tpu.enqueue_dma source(%dma_start3A_523 : memref<160xi32, #tpu.memory_space<hbm>>) target(%arg7 : memref<160xi32, #tpu.memory_space<vmem>>) target_semaphore(%dma_start3A_522 : memref<!tpu.dma_semaphore, #tpu.memory_space<semaphore_mem>>)
      } else {
      }
      %add3A_356 = arith.constant 2 : i32
      %add3A_357 = arith.addi %add3A_252, %add3A_356 : i32
      %mul3A_358 = arith.constant 32 : i32
      %mul3A_359 = arith.muli %add3A_357, %mul3A_358 : i32
      %add3A_360 = arith.addi %mul3A_359, %add3A : i32
      %mul3A_361 = arith.constant 160 : i32
      %mul3A_362 = arith.muli %add3A_360, %mul3A_361 : i32
      %dma_start3A_363 = arith.constant 2 : i32
      %dma_start3A_364 = arith.constant 2 : i32
      %dma_start3A_365 = arith.constant 0 : i32
      %dma_start3A_366 = arith.constant 0 : i32
      %dma_start3A_367 = tpu.memref_slice %arg10[%dma_start3A_363, %dma_start3A_365, %dma_start3A_366] : memref<5x160x128xf32, #tpu.memory_space<vmem>> -> memref<1x160x128xf32, #tpu.memory_space<vmem>>
      %dma_start3A_368 = tpu.memref_squeeze %dma_start3A_367 : memref<1x160x128xf32, #tpu.memory_space<vmem>> -> memref<160x128xf32, #tpu.memory_space<vmem>>
      %dma_start3A_369 = arith.constant 0 : i32
      %dma_start3A_370 = tpu.memref_slice %arg4[%mul3A_362, %dma_start3A_369] : memref<819200x128xf32, #tpu.memory_space<hbm>> -> memref<160x128xf32, #tpu.memory_space<hbm>>
      %dma_start3A_371 = tpu.memref_slice %arg13[%dma_start3A_364] : memref<5x!tpu.dma_semaphore, #tpu.memory_space<semaphore_mem>> -> memref<1x!tpu.dma_semaphore, #tpu.memory_space<semaphore_mem>>
      %dma_start3A_372 = tpu.memref_squeeze %dma_start3A_371 : memref<1x!tpu.dma_semaphore, #tpu.memory_space<semaphore_mem>> -> memref<!tpu.dma_semaphore, #tpu.memory_space<semaphore_mem>>
      %dma_start3A_373 = arith.constant 0 : i32
      %dma_start3A_374 = tpu.memref_slice %arg4[%mul3A_362, %dma_start3A_373] : memref<819200x128xf32, #tpu.memory_space<hbm>> -> memref<160x128xf32, #tpu.memory_space<hbm>>
      %dma_start3A_375 = arith.constant 0 : i32
      %dma_start3A_376 = arith.constant 0 : i32
      %dma_start3A_377 = tpu.memref_slice %arg10[%dma_start3A_363, %dma_start3A_375, %dma_start3A_376] : memref<5x160x128xf32, #tpu.memory_space<vmem>> -> memref<1x160x128xf32, #tpu.memory_space<vmem>>
      %dma_start3A_378 = tpu.memref_squeeze %dma_start3A_377 : memref<1x160x128xf32, #tpu.memory_space<vmem>> -> memref<160x128xf32, #tpu.memory_space<vmem>>
      tpu.enqueue_dma source(%dma_start3A_378 : memref<160x128xf32, #tpu.memory_space<vmem>>) target(%dma_start3A_374 : memref<160x128xf32, #tpu.memory_space<hbm>>) target_semaphore(%dma_start3A_372 : memref<!tpu.dma_semaphore, #tpu.memory_space<semaphore_mem>>)
      %dma_wait3A_379 = arith.constant 3 : i32
      %dma_wait3A_380 = arith.constant 3 : i32
      %dma_wait3A_381 = arith.constant 0 : i32
      %dma_wait3A_382 = arith.constant 0 : i32
      %dma_wait3A_383 = tpu.memref_slice %arg10[%dma_wait3A_379, %dma_wait3A_381, %dma_wait3A_382] : memref<5x160x128xf32, #tpu.memory_space<vmem>> -> memref<1x160x128xf32, #tpu.memory_space<vmem>>
      %dma_wait3A_384 = tpu.memref_squeeze %dma_wait3A_383 : memref<1x160x128xf32, #tpu.memory_space<vmem>> -> memref<160x128xf32, #tpu.memory_space<vmem>>
      %dma_wait3A_385 = arith.constant 0 : i32
      %dma_wait3A_386 = arith.constant 0 : i32
      %dma_wait3A_387 = tpu.memref_slice %arg2[%dma_wait3A_385, %dma_wait3A_386] : memref<100000x128xf32, #tpu.memory_space<hbm>> -> memref<100000x128xf32, #tpu.memory_space<hbm>>
      %dma_wait3A_388 = tpu.memref_slice %arg12[%dma_wait3A_380] : memref<5x!tpu.dma_semaphore, #tpu.memory_space<semaphore_mem>> -> memref<1x!tpu.dma_semaphore, #tpu.memory_space<semaphore_mem>>
      %dma_wait3A_389 = tpu.memref_squeeze %dma_wait3A_388 : memref<1x!tpu.dma_semaphore, #tpu.memory_space<semaphore_mem>> -> memref<!tpu.dma_semaphore, #tpu.memory_space<semaphore_mem>>
      tpu.wait_indirect_dma semaphore(%dma_wait3A_389 : memref<!tpu.dma_semaphore, #tpu.memory_space<semaphore_mem>>) src(%dma_wait3A_387 : memref<100000x128xf32, #tpu.memory_space<hbm>>) dst(%dma_wait3A_384 : memref<160x128xf32, #tpu.memory_space<vmem>>)
      %add3A_390 = arith.constant 3 : i32
      %add3A_391 = arith.addi %add3A_252, %add3A_390 : i32
      %add3A_392 = arith.constant 5 : i32
      %add3A_393 = arith.addi %add3A_391, %add3A_392 : i32
      %lt3A_394 = arith.constant 160 : i32
      %lt3A_395 = arith.cmpi slt, %add3A_393, %lt3A_394 : i32
      %convert_element_type3A_396 = arith.extui %lt3A_395 : i1 to i32
      %cond3A_397 = arith.constant 0 : i32
      %cond3A_398 = arith.cmpi ne, %convert_element_type3A_396, %cond3A_397 : i32
      scf.if %cond3A_398 {
        %add3A_510 = arith.constant 3 : i32
        %add3A_511 = arith.addi %add3A_252, %add3A_510 : i32
        %add3A_512 = arith.constant 5 : i32
        %add3A_513 = arith.addi %add3A_511, %add3A_512 : i32
        %mul3A_514 = arith.constant 32 : i32
        %mul3A_515 = arith.muli %add3A_513, %mul3A_514 : i32
        %add3A_516 = arith.addi %mul3A_515, %add3A : i32
        %mul3A_517 = arith.constant 160 : i32
        %mul3A_518 = arith.muli %add3A_516, %mul3A_517 : i32
        %dma_start3A_519 = arith.constant 3 : i32
        %dma_start3A_520 = tpu.memref_slice %arg3[%mul3A_518] : memref<819200xi32, #tpu.memory_space<hbm>> -> memref<160xi32, #tpu.memory_space<hbm>>
        %dma_start3A_521 = tpu.memref_slice %arg11[%dma_start3A_519] : memref<5x!tpu.dma_semaphore, #tpu.memory_space<semaphore_mem>> -> memref<1x!tpu.dma_semaphore, #tpu.memory_space<semaphore_mem>>
        %dma_start3A_522 = tpu.memref_squeeze %dma_start3A_521 : memref<1x!tpu.dma_semaphore, #tpu.memory_space<semaphore_mem>> -> memref<!tpu.dma_semaphore, #tpu.memory_space<semaphore_mem>>
        %dma_start3A_523 = tpu.memref_slice %arg3[%mul3A_518] : memref<819200xi32, #tpu.memory_space<hbm>> -> memref<160xi32, #tpu.memory_space<hbm>>
        tpu.enqueue_dma source(%dma_start3A_523 : memref<160xi32, #tpu.memory_space<hbm>>) target(%arg8 : memref<160xi32, #tpu.memory_space<vmem>>) target_semaphore(%dma_start3A_522 : memref<!tpu.dma_semaphore, #tpu.memory_space<semaphore_mem>>)
      } else {
      }
      %add3A_399 = arith.constant 3 : i32
      %add3A_400 = arith.addi %add3A_252, %add3A_399 : i32
      %mul3A_401 = arith.constant 32 : i32
      %mul3A_402 = arith.muli %add3A_400, %mul3A_401 : i32
      %add3A_403 = arith.addi %mul3A_402, %add3A : i32
      %mul3A_404 = arith.constant 160 : i32
      %mul3A_405 = arith.muli %add3A_403, %mul3A_404 : i32
      %dma_start3A_406 = arith.constant 3 : i32
      %dma_start3A_407 = arith.constant 3 : i32
      %dma_start3A_408 = arith.constant 0 : i32
      %dma_start3A_409 = arith.constant 0 : i32
      %dma_start3A_410 = tpu.memref_slice %arg10[%dma_start3A_406, %dma_start3A_408, %dma_start3A_409] : memref<5x160x128xf32, #tpu.memory_space<vmem>> -> memref<1x160x128xf32, #tpu.memory_space<vmem>>
      %dma_start3A_411 = tpu.memref_squeeze %dma_start3A_410 : memref<1x160x128xf32, #tpu.memory_space<vmem>> -> memref<160x128xf32, #tpu.memory_space<vmem>>
      %dma_start3A_412 = arith.constant 0 : i32
      %dma_start3A_413 = tpu.memref_slice %arg4[%mul3A_405, %dma_start3A_412] : memref<819200x128xf32, #tpu.memory_space<hbm>> -> memref<160x128xf32, #tpu.memory_space<hbm>>
      %dma_start3A_414 = tpu.memref_slice %arg13[%dma_start3A_407] : memref<5x!tpu.dma_semaphore, #tpu.memory_space<semaphore_mem>> -> memref<1x!tpu.dma_semaphore, #tpu.memory_space<semaphore_mem>>
      %dma_start3A_415 = tpu.memref_squeeze %dma_start3A_414 : memref<1x!tpu.dma_semaphore, #tpu.memory_space<semaphore_mem>> -> memref<!tpu.dma_semaphore, #tpu.memory_space<semaphore_mem>>
      %dma_start3A_416 = arith.constant 0 : i32
      %dma_start3A_417 = tpu.memref_slice %arg4[%mul3A_405, %dma_start3A_416] : memref<819200x128xf32, #tpu.memory_space<hbm>> -> memref<160x128xf32, #tpu.memory_space<hbm>>
      %dma_start3A_418 = arith.constant 0 : i32
      %dma_start3A_419 = arith.constant 0 : i32
      %dma_start3A_420 = tpu.memref_slice %arg10[%dma_start3A_406, %dma_start3A_418, %dma_start3A_419] : memref<5x160x128xf32, #tpu.memory_space<vmem>> -> memref<1x160x128xf32, #tpu.memory_space<vmem>>
      %dma_start3A_421 = tpu.memref_squeeze %dma_start3A_420 : memref<1x160x128xf32, #tpu.memory_space<vmem>> -> memref<160x128xf32, #tpu.memory_space<vmem>>
      tpu.enqueue_dma source(%dma_start3A_421 : memref<160x128xf32, #tpu.memory_space<vmem>>) target(%dma_start3A_417 : memref<160x128xf32, #tpu.memory_space<hbm>>) target_semaphore(%dma_start3A_415 : memref<!tpu.dma_semaphore, #tpu.memory_space<semaphore_mem>>)
      %dma_wait3A_422 = arith.constant 4 : i32
      %dma_wait3A_423 = arith.constant 4 : i32
      %dma_wait3A_424 = arith.constant 0 : i32
      %dma_wait3A_425 = arith.constant 0 : i32
      %dma_wait3A_426 = tpu.memref_slice %arg10[%dma_wait3A_422, %dma_wait3A_424, %dma_wait3A_425] : memref<5x160x128xf32, #tpu.memory_space<vmem>> -> memref<1x160x128xf32, #tpu.memory_space<vmem>>
      %dma_wait3A_427 = tpu.memref_squeeze %dma_wait3A_426 : memref<1x160x128xf32, #tpu.memory_space<vmem>> -> memref<160x128xf32, #tpu.memory_space<vmem>>
      %dma_wait3A_428 = arith.constant 0 : i32
      %dma_wait3A_429 = arith.constant 0 : i32
      %dma_wait3A_430 = tpu.memref_slice %arg2[%dma_wait3A_428, %dma_wait3A_429] : memref<100000x128xf32, #tpu.memory_space<hbm>> -> memref<100000x128xf32, #tpu.memory_space<hbm>>
      %dma_wait3A_431 = tpu.memref_slice %arg12[%dma_wait3A_423] : memref<5x!tpu.dma_semaphore, #tpu.memory_space<semaphore_mem>> -> memref<1x!tpu.dma_semaphore, #tpu.memory_space<semaphore_mem>>
      %dma_wait3A_432 = tpu.memref_squeeze %dma_wait3A_431 : memref<1x!tpu.dma_semaphore, #tpu.memory_space<semaphore_mem>> -> memref<!tpu.dma_semaphore, #tpu.memory_space<semaphore_mem>>
      tpu.wait_indirect_dma semaphore(%dma_wait3A_432 : memref<!tpu.dma_semaphore, #tpu.memory_space<semaphore_mem>>) src(%dma_wait3A_430 : memref<100000x128xf32, #tpu.memory_space<hbm>>) dst(%dma_wait3A_427 : memref<160x128xf32, #tpu.memory_space<vmem>>)
      %add3A_433 = arith.constant 4 : i32
      %add3A_434 = arith.addi %add3A_252, %add3A_433 : i32
      %add3A_435 = arith.constant 5 : i32
      %add3A_436 = arith.addi %add3A_434, %add3A_435 : i32
      %lt3A_437 = arith.constant 160 : i32
      %lt3A_438 = arith.cmpi slt, %add3A_436, %lt3A_437 : i32
      %convert_element_type3A_439 = arith.extui %lt3A_438 : i1 to i32
      %cond3A_440 = arith.constant 0 : i32
      %cond3A_441 = arith.cmpi ne, %convert_element_type3A_439, %cond3A_440 : i32
      scf.if %cond3A_441 {
        %add3A_510 = arith.constant 4 : i32
        %add3A_511 = arith.addi %add3A_252, %add3A_510 : i32
        %add3A_512 = arith.constant 5 : i32
        %add3A_513 = arith.addi %add3A_511, %add3A_512 : i32
        %mul3A_514 = arith.constant 32 : i32
        %mul3A_515 = arith.muli %add3A_513, %mul3A_514 : i32
        %add3A_516 = arith.addi %mul3A_515, %add3A : i32
        %mul3A_517 = arith.constant 160 : i32
        %mul3A_518 = arith.muli %add3A_516, %mul3A_517 : i32
        %dma_start3A_519 = arith.constant 4 : i32
        %dma_start3A_520 = tpu.memref_slice %arg3[%mul3A_518] : memref<819200xi32, #tpu.memory_space<hbm>> -> memref<160xi32, #tpu.memory_space<hbm>>
        %dma_start3A_521 = tpu.memref_slice %arg11[%dma_start3A_519] : memref<5x!tpu.dma_semaphore, #tpu.memory_space<semaphore_mem>> -> memref<1x!tpu.dma_semaphore, #tpu.memory_space<semaphore_mem>>
        %dma_start3A_522 = tpu.memref_squeeze %dma_start3A_521 : memref<1x!tpu.dma_semaphore, #tpu.memory_space<semaphore_mem>> -> memref<!tpu.dma_semaphore, #tpu.memory_space<semaphore_mem>>
        %dma_start3A_523 = tpu.memref_slice %arg3[%mul3A_518] : memref<819200xi32, #tpu.memory_space<hbm>> -> memref<160xi32, #tpu.memory_space<hbm>>
        tpu.enqueue_dma source(%dma_start3A_523 : memref<160xi32, #tpu.memory_space<hbm>>) target(%arg9 : memref<160xi32, #tpu.memory_space<vmem>>) target_semaphore(%dma_start3A_522 : memref<!tpu.dma_semaphore, #tpu.memory_space<semaphore_mem>>)
      } else {
      }
      %add3A_442 = arith.constant 4 : i32
      %add3A_443 = arith.addi %add3A_252, %add3A_442 : i32
      %mul3A_444 = arith.constant 32 : i32
      %mul3A_445 = arith.muli %add3A_443, %mul3A_444 : i32
      %add3A_446 = arith.addi %mul3A_445, %add3A : i32
      %mul3A_447 = arith.constant 160 : i32
      %mul3A_448 = arith.muli %add3A_446, %mul3A_447 : i32
      %dma_start3A_449 = arith.constant 4 : i32
      %dma_start3A_450 = arith.constant 4 : i32
      %dma_start3A_451 = arith.constant 0 : i32
      %dma_start3A_452 = arith.constant 0 : i32
      %dma_start3A_453 = tpu.memref_slice %arg10[%dma_start3A_449, %dma_start3A_451, %dma_start3A_452] : memref<5x160x128xf32, #tpu.memory_space<vmem>> -> memref<1x160x128xf32, #tpu.memory_space<vmem>>
      %dma_start3A_454 = tpu.memref_squeeze %dma_start3A_453 : memref<1x160x128xf32, #tpu.memory_space<vmem>> -> memref<160x128xf32, #tpu.memory_space<vmem>>
      %dma_start3A_455 = arith.constant 0 : i32
      %dma_start3A_456 = tpu.memref_slice %arg4[%mul3A_448, %dma_start3A_455] : memref<819200x128xf32, #tpu.memory_space<hbm>> -> memref<160x128xf32, #tpu.memory_space<hbm>>
      %dma_start3A_457 = tpu.memref_slice %arg13[%dma_start3A_450] : memref<5x!tpu.dma_semaphore, #tpu.memory_space<semaphore_mem>> -> memref<1x!tpu.dma_semaphore, #tpu.memory_space<semaphore_mem>>
      %dma_start3A_458 = tpu.memref_squeeze %dma_start3A_457 : memref<1x!tpu.dma_semaphore, #tpu.memory_space<semaphore_mem>> -> memref<!tpu.dma_semaphore, #tpu.memory_space<semaphore_mem>>
      %dma_start3A_459 = arith.constant 0 : i32
      %dma_start3A_460 = tpu.memref_slice %arg4[%mul3A_448, %dma_start3A_459] : memref<819200x128xf32, #tpu.memory_space<hbm>> -> memref<160x128xf32, #tpu.memory_space<hbm>>
      %dma_start3A_461 = arith.constant 0 : i32
      %dma_start3A_462 = arith.constant 0 : i32
      %dma_start3A_463 = tpu.memref_slice %arg10[%dma_start3A_449, %dma_start3A_461, %dma_start3A_462] : memref<5x160x128xf32, #tpu.memory_space<vmem>> -> memref<1x160x128xf32, #tpu.memory_space<vmem>>
      %dma_start3A_464 = tpu.memref_squeeze %dma_start3A_463 : memref<1x160x128xf32, #tpu.memory_space<vmem>> -> memref<160x128xf32, #tpu.memory_space<vmem>>
      tpu.enqueue_dma source(%dma_start3A_464 : memref<160x128xf32, #tpu.memory_space<vmem>>) target(%dma_start3A_460 : memref<160x128xf32, #tpu.memory_space<hbm>>) target_semaphore(%dma_start3A_458 : memref<!tpu.dma_semaphore, #tpu.memory_space<semaphore_mem>>)
      %add3A_465 = arith.constant 0 : i32
      %add3A_466 = arith.addi %add3A_252, %add3A_465 : i32
      %add3A_467 = arith.constant 5 : i32
      %add3A_468 = arith.addi %add3A_466, %add3A_467 : i32
      %lt3A_469 = arith.constant 160 : i32
      %lt3A_470 = arith.cmpi slt, %add3A_468, %lt3A_469 : i32
      %convert_element_type3A_471 = arith.extui %lt3A_470 : i1 to i32
      %cond3A_472 = arith.constant 0 : i32
      %cond3A_473 = arith.cmpi ne, %convert_element_type3A_471, %cond3A_472 : i32
      scf.if %cond3A_473 {
        %add3A_510 = arith.constant 0 : i32
        %add3A_511 = arith.addi %add3A_252, %add3A_510 : i32
        %mul3A_512 = arith.constant 32 : i32
        %mul3A_513 = arith.muli %add3A_511, %mul3A_512 : i32
        %add3A_514 = arith.addi %mul3A_513, %add3A : i32
        %mul3A_515 = arith.constant 160 : i32
        %mul3A_516 = arith.muli %add3A_514, %mul3A_515 : i32
        %dma_wait3A_517 = arith.constant 0 : i32
        %dma_wait3A_518 = arith.constant 0 : i32
        %dma_wait3A_519 = arith.constant 0 : i32
        %dma_wait3A_520 = arith.constant 0 : i32
        %dma_wait3A_521 = tpu.memref_slice %arg10[%dma_wait3A_517, %dma_wait3A_519, %dma_wait3A_520] : memref<5x160x128xf32, #tpu.memory_space<vmem>> -> memref<1x160x128xf32, #tpu.memory_space<vmem>>
        %dma_wait3A_522 = tpu.memref_squeeze %dma_wait3A_521 : memref<1x160x128xf32, #tpu.memory_space<vmem>> -> memref<160x128xf32, #tpu.memory_space<vmem>>
        %dma_wait3A_523 = arith.constant 0 : i32
        %dma_wait3A_524 = tpu.memref_slice %arg4[%mul3A_516, %dma_wait3A_523] : memref<819200x128xf32, #tpu.memory_space<hbm>> -> memref<160x128xf32, #tpu.memory_space<hbm>>
        %dma_wait3A_525 = tpu.memref_slice %arg13[%dma_wait3A_518] : memref<5x!tpu.dma_semaphore, #tpu.memory_space<semaphore_mem>> -> memref<1x!tpu.dma_semaphore, #tpu.memory_space<semaphore_mem>>
        %dma_wait3A_526 = tpu.memref_squeeze %dma_wait3A_525 : memref<1x!tpu.dma_semaphore, #tpu.memory_space<semaphore_mem>> -> memref<!tpu.dma_semaphore, #tpu.memory_space<semaphore_mem>>
        %dma_wait3A_527 = arith.constant 0 : i32
        %dma_wait3A_528 = tpu.memref_slice %arg4[%mul3A_516, %dma_wait3A_527] : memref<819200x128xf32, #tpu.memory_space<hbm>> -> memref<160x128xf32, #tpu.memory_space<hbm>>
        %dma_wait3A_529 = arith.constant 0 : i32
        %dma_wait3A_530 = arith.constant 0 : i32
        %dma_wait3A_531 = tpu.memref_slice %arg10[%dma_wait3A_517, %dma_wait3A_529, %dma_wait3A_530] : memref<5x160x128xf32, #tpu.memory_space<vmem>> -> memref<1x160x128xf32, #tpu.memory_space<vmem>>
        %dma_wait3A_532 = tpu.memref_squeeze %dma_wait3A_531 : memref<1x160x128xf32, #tpu.memory_space<vmem>> -> memref<160x128xf32, #tpu.memory_space<vmem>>
        tpu.wait_dma2 semaphore(%dma_wait3A_526 : memref<!tpu.dma_semaphore, #tpu.memory_space<semaphore_mem>>) src(%dma_wait3A_532 : memref<160x128xf32, #tpu.memory_space<vmem>>) dst(%dma_wait3A_528 : memref<160x128xf32, #tpu.memory_space<hbm>>)
        %add3A_533 = arith.constant 0 : i32
        %add3A_534 = arith.addi %add3A_252, %add3A_533 : i32
        %add3A_535 = arith.constant 5 : i32
        %add3A_536 = arith.addi %add3A_534, %add3A_535 : i32
        %mul3A_537 = arith.constant 32 : i32
        %mul3A_538 = arith.muli %add3A_536, %mul3A_537 : i32
        %add3A_539 = arith.addi %mul3A_538, %add3A : i32
        %mul3A_540 = arith.constant 160 : i32
        %mul3A_541 = arith.muli %add3A_539, %mul3A_540 : i32
        %dma_wait3A_542 = arith.constant 0 : i32
        %dma_wait3A_543 = tpu.memref_slice %arg3[%mul3A_541] : memref<819200xi32, #tpu.memory_space<hbm>> -> memref<160xi32, #tpu.memory_space<hbm>>
        %dma_wait3A_544 = tpu.memref_slice %arg11[%dma_wait3A_542] : memref<5x!tpu.dma_semaphore, #tpu.memory_space<semaphore_mem>> -> memref<1x!tpu.dma_semaphore, #tpu.memory_space<semaphore_mem>>
        %dma_wait3A_545 = tpu.memref_squeeze %dma_wait3A_544 : memref<1x!tpu.dma_semaphore, #tpu.memory_space<semaphore_mem>> -> memref<!tpu.dma_semaphore, #tpu.memory_space<semaphore_mem>>
        %dma_wait3A_546 = tpu.memref_slice %arg3[%mul3A_541] : memref<819200xi32, #tpu.memory_space<hbm>> -> memref<160xi32, #tpu.memory_space<hbm>>
        tpu.wait_dma2 semaphore(%dma_wait3A_545 : memref<!tpu.dma_semaphore, #tpu.memory_space<semaphore_mem>>) src(%dma_wait3A_546 : memref<160xi32, #tpu.memory_space<hbm>>) dst(%arg5 : memref<160xi32, #tpu.memory_space<vmem>>)
        %dma_start3A_547 = arith.constant 0 : i32
        %dma_start3A_548 = arith.constant 0 : i32
        %dma_start3A_549 = arith.constant 0 : i32
        %dma_start3A_550 = arith.constant 0 : i32
        %dma_start3A_551 = tpu.memref_slice %arg10[%dma_start3A_547, %dma_start3A_549, %dma_start3A_550] : memref<5x160x128xf32, #tpu.memory_space<vmem>> -> memref<1x160x128xf32, #tpu.memory_space<vmem>>
        %dma_start3A_552 = tpu.memref_squeeze %dma_start3A_551 : memref<1x160x128xf32, #tpu.memory_space<vmem>> -> memref<160x128xf32, #tpu.memory_space<vmem>>
        %dma_start3A_553 = arith.constant 0 : i32
        %dma_start3A_554 = arith.constant 0 : i32
        %dma_start3A_555 = tpu.memref_slice %arg2[%dma_start3A_553, %dma_start3A_554] : memref<100000x128xf32, #tpu.memory_space<hbm>> -> memref<100000x128xf32, #tpu.memory_space<hbm>>
        %dma_start3A_556 = tpu.memref_slice %arg12[%dma_start3A_548] : memref<5x!tpu.dma_semaphore, #tpu.memory_space<semaphore_mem>> -> memref<1x!tpu.dma_semaphore, #tpu.memory_space<semaphore_mem>>
        %dma_start3A_557 = tpu.memref_squeeze %dma_start3A_556 : memref<1x!tpu.dma_semaphore, #tpu.memory_space<semaphore_mem>> -> memref<!tpu.dma_semaphore, #tpu.memory_space<semaphore_mem>>
        tpu.enqueue_indirect_dma source(%dma_start3A_555 : memref<100000x128xf32, #tpu.memory_space<hbm>>) target(%dma_start3A_552 : memref<160x128xf32, #tpu.memory_space<vmem>>) offsets(%arg5 : memref<160xi32, #tpu.memory_space<vmem>>) semaphore(%dma_start3A_557 : memref<!tpu.dma_semaphore, #tpu.memory_space<semaphore_mem>>)
      } else {
      }
      %add3A_474 = arith.constant 1 : i32
      %add3A_475 = arith.addi %add3A_252, %add3A_474 : i32
      %add3A_476 = arith.constant 5 : i32
      %add3A_477 = arith.addi %add3A_475, %add3A_476 : i32
      %lt3A_478 = arith.constant 160 : i32
      %lt3A_479 = arith.cmpi slt, %add3A_477, %lt3A_478 : i32
      %convert_element_type3A_480 = arith.extui %lt3A_479 : i1 to i32
      %cond3A_481 = arith.constant 0 : i32
      %cond3A_482 = arith.cmpi ne, %convert_element_type3A_480, %cond3A_481 : i32
      scf.if %cond3A_482 {
        %add3A_510 = arith.constant 1 : i32
        %add3A_511 = arith.addi %add3A_252, %add3A_510 : i32
        %mul3A_512 = arith.constant 32 : i32
        %mul3A_513 = arith.muli %add3A_511, %mul3A_512 : i32
        %add3A_514 = arith.addi %mul3A_513, %add3A : i32
        %mul3A_515 = arith.constant 160 : i32
        %mul3A_516 = arith.muli %add3A_514, %mul3A_515 : i32
        %dma_wait3A_517 = arith.constant 1 : i32
        %dma_wait3A_518 = arith.constant 1 : i32
        %dma_wait3A_519 = arith.constant 0 : i32
        %dma_wait3A_520 = arith.constant 0 : i32
        %dma_wait3A_521 = tpu.memref_slice %arg10[%dma_wait3A_517, %dma_wait3A_519, %dma_wait3A_520] : memref<5x160x128xf32, #tpu.memory_space<vmem>> -> memref<1x160x128xf32, #tpu.memory_space<vmem>>
        %dma_wait3A_522 = tpu.memref_squeeze %dma_wait3A_521 : memref<1x160x128xf32, #tpu.memory_space<vmem>> -> memref<160x128xf32, #tpu.memory_space<vmem>>
        %dma_wait3A_523 = arith.constant 0 : i32
        %dma_wait3A_524 = tpu.memref_slice %arg4[%mul3A_516, %dma_wait3A_523] : memref<819200x128xf32, #tpu.memory_space<hbm>> -> memref<160x128xf32, #tpu.memory_space<hbm>>
        %dma_wait3A_525 = tpu.memref_slice %arg13[%dma_wait3A_518] : memref<5x!tpu.dma_semaphore, #tpu.memory_space<semaphore_mem>> -> memref<1x!tpu.dma_semaphore, #tpu.memory_space<semaphore_mem>>
        %dma_wait3A_526 = tpu.memref_squeeze %dma_wait3A_525 : memref<1x!tpu.dma_semaphore, #tpu.memory_space<semaphore_mem>> -> memref<!tpu.dma_semaphore, #tpu.memory_space<semaphore_mem>>
        %dma_wait3A_527 = arith.constant 0 : i32
        %dma_wait3A_528 = tpu.memref_slice %arg4[%mul3A_516, %dma_wait3A_527] : memref<819200x128xf32, #tpu.memory_space<hbm>> -> memref<160x128xf32, #tpu.memory_space<hbm>>
        %dma_wait3A_529 = arith.constant 0 : i32
        %dma_wait3A_530 = arith.constant 0 : i32
        %dma_wait3A_531 = tpu.memref_slice %arg10[%dma_wait3A_517, %dma_wait3A_529, %dma_wait3A_530] : memref<5x160x128xf32, #tpu.memory_space<vmem>> -> memref<1x160x128xf32, #tpu.memory_space<vmem>>
        %dma_wait3A_532 = tpu.memref_squeeze %dma_wait3A_531 : memref<1x160x128xf32, #tpu.memory_space<vmem>> -> memref<160x128xf32, #tpu.memory_space<vmem>>
        tpu.wait_dma2 semaphore(%dma_wait3A_526 : memref<!tpu.dma_semaphore, #tpu.memory_space<semaphore_mem>>) src(%dma_wait3A_532 : memref<160x128xf32, #tpu.memory_space<vmem>>) dst(%dma_wait3A_528 : memref<160x128xf32, #tpu.memory_space<hbm>>)
        %add3A_533 = arith.constant 1 : i32
        %add3A_534 = arith.addi %add3A_252, %add3A_533 : i32
        %add3A_535 = arith.constant 5 : i32
        %add3A_536 = arith.addi %add3A_534, %add3A_535 : i32
        %mul3A_537 = arith.constant 32 : i32
        %mul3A_538 = arith.muli %add3A_536, %mul3A_537 : i32
        %add3A_539 = arith.addi %mul3A_538, %add3A : i32
        %mul3A_540 = arith.constant 160 : i32
        %mul3A_541 = arith.muli %add3A_539, %mul3A_540 : i32
        %dma_wait3A_542 = arith.constant 1 : i32
        %dma_wait3A_543 = tpu.memref_slice %arg3[%mul3A_541] : memref<819200xi32, #tpu.memory_space<hbm>> -> memref<160xi32, #tpu.memory_space<hbm>>
        %dma_wait3A_544 = tpu.memref_slice %arg11[%dma_wait3A_542] : memref<5x!tpu.dma_semaphore, #tpu.memory_space<semaphore_mem>> -> memref<1x!tpu.dma_semaphore, #tpu.memory_space<semaphore_mem>>
        %dma_wait3A_545 = tpu.memref_squeeze %dma_wait3A_544 : memref<1x!tpu.dma_semaphore, #tpu.memory_space<semaphore_mem>> -> memref<!tpu.dma_semaphore, #tpu.memory_space<semaphore_mem>>
        %dma_wait3A_546 = tpu.memref_slice %arg3[%mul3A_541] : memref<819200xi32, #tpu.memory_space<hbm>> -> memref<160xi32, #tpu.memory_space<hbm>>
        tpu.wait_dma2 semaphore(%dma_wait3A_545 : memref<!tpu.dma_semaphore, #tpu.memory_space<semaphore_mem>>) src(%dma_wait3A_546 : memref<160xi32, #tpu.memory_space<hbm>>) dst(%arg6 : memref<160xi32, #tpu.memory_space<vmem>>)
        %dma_start3A_547 = arith.constant 1 : i32
        %dma_start3A_548 = arith.constant 1 : i32
        %dma_start3A_549 = arith.constant 0 : i32
        %dma_start3A_550 = arith.constant 0 : i32
        %dma_start3A_551 = tpu.memref_slice %arg10[%dma_start3A_547, %dma_start3A_549, %dma_start3A_550] : memref<5x160x128xf32, #tpu.memory_space<vmem>> -> memref<1x160x128xf32, #tpu.memory_space<vmem>>
        %dma_start3A_552 = tpu.memref_squeeze %dma_start3A_551 : memref<1x160x128xf32, #tpu.memory_space<vmem>> -> memref<160x128xf32, #tpu.memory_space<vmem>>
        %dma_start3A_553 = arith.constant 0 : i32
        %dma_start3A_554 = arith.constant 0 : i32
        %dma_start3A_555 = tpu.memref_slice %arg2[%dma_start3A_553, %dma_start3A_554] : memref<100000x128xf32, #tpu.memory_space<hbm>> -> memref<100000x128xf32, #tpu.memory_space<hbm>>
        %dma_start3A_556 = tpu.memref_slice %arg12[%dma_start3A_548] : memref<5x!tpu.dma_semaphore, #tpu.memory_space<semaphore_mem>> -> memref<1x!tpu.dma_semaphore, #tpu.memory_space<semaphore_mem>>
        %dma_start3A_557 = tpu.memref_squeeze %dma_start3A_556 : memref<1x!tpu.dma_semaphore, #tpu.memory_space<semaphore_mem>> -> memref<!tpu.dma_semaphore, #tpu.memory_space<semaphore_mem>>
        tpu.enqueue_indirect_dma source(%dma_start3A_555 : memref<100000x128xf32, #tpu.memory_space<hbm>>) target(%dma_start3A_552 : memref<160x128xf32, #tpu.memory_space<vmem>>) offsets(%arg6 : memref<160xi32, #tpu.memory_space<vmem>>) semaphore(%dma_start3A_557 : memref<!tpu.dma_semaphore, #tpu.memory_space<semaphore_mem>>)
      } else {
      }
      %add3A_483 = arith.constant 2 : i32
      %add3A_484 = arith.addi %add3A_252, %add3A_483 : i32
      %add3A_485 = arith.constant 5 : i32
      %add3A_486 = arith.addi %add3A_484, %add3A_485 : i32
      %lt3A_487 = arith.constant 160 : i32
      %lt3A_488 = arith.cmpi slt, %add3A_486, %lt3A_487 : i32
      %convert_element_type3A_489 = arith.extui %lt3A_488 : i1 to i32
      %cond3A_490 = arith.constant 0 : i32
      %cond3A_491 = arith.cmpi ne, %convert_element_type3A_489, %cond3A_490 : i32
      scf.if %cond3A_491 {
        %add3A_510 = arith.constant 2 : i32
        %add3A_511 = arith.addi %add3A_252, %add3A_510 : i32
        %mul3A_512 = arith.constant 32 : i32
        %mul3A_513 = arith.muli %add3A_511, %mul3A_512 : i32
        %add3A_514 = arith.addi %mul3A_513, %add3A : i32
        %mul3A_515 = arith.constant 160 : i32
        %mul3A_516 = arith.muli %add3A_514, %mul3A_515 : i32
        %dma_wait3A_517 = arith.constant 2 : i32
        %dma_wait3A_518 = arith.constant 2 : i32
        %dma_wait3A_519 = arith.constant 0 : i32
        %dma_wait3A_520 = arith.constant 0 : i32
        %dma_wait3A_521 = tpu.memref_slice %arg10[%dma_wait3A_517, %dma_wait3A_519, %dma_wait3A_520] : memref<5x160x128xf32, #tpu.memory_space<vmem>> -> memref<1x160x128xf32, #tpu.memory_space<vmem>>
        %dma_wait3A_522 = tpu.memref_squeeze %dma_wait3A_521 : memref<1x160x128xf32, #tpu.memory_space<vmem>> -> memref<160x128xf32, #tpu.memory_space<vmem>>
        %dma_wait3A_523 = arith.constant 0 : i32
        %dma_wait3A_524 = tpu.memref_slice %arg4[%mul3A_516, %dma_wait3A_523] : memref<819200x128xf32, #tpu.memory_space<hbm>> -> memref<160x128xf32, #tpu.memory_space<hbm>>
        %dma_wait3A_525 = tpu.memref_slice %arg13[%dma_wait3A_518] : memref<5x!tpu.dma_semaphore, #tpu.memory_space<semaphore_mem>> -> memref<1x!tpu.dma_semaphore, #tpu.memory_space<semaphore_mem>>
        %dma_wait3A_526 = tpu.memref_squeeze %dma_wait3A_525 : memref<1x!tpu.dma_semaphore, #tpu.memory_space<semaphore_mem>> -> memref<!tpu.dma_semaphore, #tpu.memory_space<semaphore_mem>>
        %dma_wait3A_527 = arith.constant 0 : i32
        %dma_wait3A_528 = tpu.memref_slice %arg4[%mul3A_516, %dma_wait3A_527] : memref<819200x128xf32, #tpu.memory_space<hbm>> -> memref<160x128xf32, #tpu.memory_space<hbm>>
        %dma_wait3A_529 = arith.constant 0 : i32
        %dma_wait3A_530 = arith.constant 0 : i32
        %dma_wait3A_531 = tpu.memref_slice %arg10[%dma_wait3A_517, %dma_wait3A_529, %dma_wait3A_530] : memref<5x160x128xf32, #tpu.memory_space<vmem>> -> memref<1x160x128xf32, #tpu.memory_space<vmem>>
        %dma_wait3A_532 = tpu.memref_squeeze %dma_wait3A_531 : memref<1x160x128xf32, #tpu.memory_space<vmem>> -> memref<160x128xf32, #tpu.memory_space<vmem>>
        tpu.wait_dma2 semaphore(%dma_wait3A_526 : memref<!tpu.dma_semaphore, #tpu.memory_space<semaphore_mem>>) src(%dma_wait3A_532 : memref<160x128xf32, #tpu.memory_space<vmem>>) dst(%dma_wait3A_528 : memref<160x128xf32, #tpu.memory_space<hbm>>)
        %add3A_533 = arith.constant 2 : i32
        %add3A_534 = arith.addi %add3A_252, %add3A_533 : i32
        %add3A_535 = arith.constant 5 : i32
        %add3A_536 = arith.addi %add3A_534, %add3A_535 : i32
        %mul3A_537 = arith.constant 32 : i32
        %mul3A_538 = arith.muli %add3A_536, %mul3A_537 : i32
        %add3A_539 = arith.addi %mul3A_538, %add3A : i32
        %mul3A_540 = arith.constant 160 : i32
        %mul3A_541 = arith.muli %add3A_539, %mul3A_540 : i32
        %dma_wait3A_542 = arith.constant 2 : i32
        %dma_wait3A_543 = tpu.memref_slice %arg3[%mul3A_541] : memref<819200xi32, #tpu.memory_space<hbm>> -> memref<160xi32, #tpu.memory_space<hbm>>
        %dma_wait3A_544 = tpu.memref_slice %arg11[%dma_wait3A_542] : memref<5x!tpu.dma_semaphore, #tpu.memory_space<semaphore_mem>> -> memref<1x!tpu.dma_semaphore, #tpu.memory_space<semaphore_mem>>
        %dma_wait3A_545 = tpu.memref_squeeze %dma_wait3A_544 : memref<1x!tpu.dma_semaphore, #tpu.memory_space<semaphore_mem>> -> memref<!tpu.dma_semaphore, #tpu.memory_space<semaphore_mem>>
        %dma_wait3A_546 = tpu.memref_slice %arg3[%mul3A_541] : memref<819200xi32, #tpu.memory_space<hbm>> -> memref<160xi32, #tpu.memory_space<hbm>>
        tpu.wait_dma2 semaphore(%dma_wait3A_545 : memref<!tpu.dma_semaphore, #tpu.memory_space<semaphore_mem>>) src(%dma_wait3A_546 : memref<160xi32, #tpu.memory_space<hbm>>) dst(%arg7 : memref<160xi32, #tpu.memory_space<vmem>>)
        %dma_start3A_547 = arith.constant 2 : i32
        %dma_start3A_548 = arith.constant 2 : i32
        %dma_start3A_549 = arith.constant 0 : i32
        %dma_start3A_550 = arith.constant 0 : i32
        %dma_start3A_551 = tpu.memref_slice %arg10[%dma_start3A_547, %dma_start3A_549, %dma_start3A_550] : memref<5x160x128xf32, #tpu.memory_space<vmem>> -> memref<1x160x128xf32, #tpu.memory_space<vmem>>
        %dma_start3A_552 = tpu.memref_squeeze %dma_start3A_551 : memref<1x160x128xf32, #tpu.memory_space<vmem>> -> memref<160x128xf32, #tpu.memory_space<vmem>>
        %dma_start3A_553 = arith.constant 0 : i32
        %dma_start3A_554 = arith.constant 0 : i32
        %dma_start3A_555 = tpu.memref_slice %arg2[%dma_start3A_553, %dma_start3A_554] : memref<100000x128xf32, #tpu.memory_space<hbm>> -> memref<100000x128xf32, #tpu.memory_space<hbm>>
        %dma_start3A_556 = tpu.memref_slice %arg12[%dma_start3A_548] : memref<5x!tpu.dma_semaphore, #tpu.memory_space<semaphore_mem>> -> memref<1x!tpu.dma_semaphore, #tpu.memory_space<semaphore_mem>>
        %dma_start3A_557 = tpu.memref_squeeze %dma_start3A_556 : memref<1x!tpu.dma_semaphore, #tpu.memory_space<semaphore_mem>> -> memref<!tpu.dma_semaphore, #tpu.memory_space<semaphore_mem>>
        tpu.enqueue_indirect_dma source(%dma_start3A_555 : memref<100000x128xf32, #tpu.memory_space<hbm>>) target(%dma_start3A_552 : memref<160x128xf32, #tpu.memory_space<vmem>>) offsets(%arg7 : memref<160xi32, #tpu.memory_space<vmem>>) semaphore(%dma_start3A_557 : memref<!tpu.dma_semaphore, #tpu.memory_space<semaphore_mem>>)
      } else {
      }
      %add3A_492 = arith.constant 3 : i32
      %add3A_493 = arith.addi %add3A_252, %add3A_492 : i32
      %add3A_494 = arith.constant 5 : i32
      %add3A_495 = arith.addi %add3A_493, %add3A_494 : i32
      %lt3A_496 = arith.constant 160 : i32
      %lt3A_497 = arith.cmpi slt, %add3A_495, %lt3A_496 : i32
      %convert_element_type3A_498 = arith.extui %lt3A_497 : i1 to i32
      %cond3A_499 = arith.constant 0 : i32
      %cond3A_500 = arith.cmpi ne, %convert_element_type3A_498, %cond3A_499 : i32
      scf.if %cond3A_500 {
        %add3A_510 = arith.constant 3 : i32
        %add3A_511 = arith.addi %add3A_252, %add3A_510 : i32
        %mul3A_512 = arith.constant 32 : i32
        %mul3A_513 = arith.muli %add3A_511, %mul3A_512 : i32
        %add3A_514 = arith.addi %mul3A_513, %add3A : i32
        %mul3A_515 = arith.constant 160 : i32
        %mul3A_516 = arith.muli %add3A_514, %mul3A_515 : i32
        %dma_wait3A_517 = arith.constant 3 : i32
        %dma_wait3A_518 = arith.constant 3 : i32
        %dma_wait3A_519 = arith.constant 0 : i32
        %dma_wait3A_520 = arith.constant 0 : i32
        %dma_wait3A_521 = tpu.memref_slice %arg10[%dma_wait3A_517, %dma_wait3A_519, %dma_wait3A_520] : memref<5x160x128xf32, #tpu.memory_space<vmem>> -> memref<1x160x128xf32, #tpu.memory_space<vmem>>
        %dma_wait3A_522 = tpu.memref_squeeze %dma_wait3A_521 : memref<1x160x128xf32, #tpu.memory_space<vmem>> -> memref<160x128xf32, #tpu.memory_space<vmem>>
        %dma_wait3A_523 = arith.constant 0 : i32
        %dma_wait3A_524 = tpu.memref_slice %arg4[%mul3A_516, %dma_wait3A_523] : memref<819200x128xf32, #tpu.memory_space<hbm>> -> memref<160x128xf32, #tpu.memory_space<hbm>>
        %dma_wait3A_525 = tpu.memref_slice %arg13[%dma_wait3A_518] : memref<5x!tpu.dma_semaphore, #tpu.memory_space<semaphore_mem>> -> memref<1x!tpu.dma_semaphore, #tpu.memory_space<semaphore_mem>>
        %dma_wait3A_526 = tpu.memref_squeeze %dma_wait3A_525 : memref<1x!tpu.dma_semaphore, #tpu.memory_space<semaphore_mem>> -> memref<!tpu.dma_semaphore, #tpu.memory_space<semaphore_mem>>
        %dma_wait3A_527 = arith.constant 0 : i32
        %dma_wait3A_528 = tpu.memref_slice %arg4[%mul3A_516, %dma_wait3A_527] : memref<819200x128xf32, #tpu.memory_space<hbm>> -> memref<160x128xf32, #tpu.memory_space<hbm>>
        %dma_wait3A_529 = arith.constant 0 : i32
        %dma_wait3A_530 = arith.constant 0 : i32
        %dma_wait3A_531 = tpu.memref_slice %arg10[%dma_wait3A_517, %dma_wait3A_529, %dma_wait3A_530] : memref<5x160x128xf32, #tpu.memory_space<vmem>> -> memref<1x160x128xf32, #tpu.memory_space<vmem>>
        %dma_wait3A_532 = tpu.memref_squeeze %dma_wait3A_531 : memref<1x160x128xf32, #tpu.memory_space<vmem>> -> memref<160x128xf32, #tpu.memory_space<vmem>>
        tpu.wait_dma2 semaphore(%dma_wait3A_526 : memref<!tpu.dma_semaphore, #tpu.memory_space<semaphore_mem>>) src(%dma_wait3A_532 : memref<160x128xf32, #tpu.memory_space<vmem>>) dst(%dma_wait3A_528 : memref<160x128xf32, #tpu.memory_space<hbm>>)
        %add3A_533 = arith.constant 3 : i32
        %add3A_534 = arith.addi %add3A_252, %add3A_533 : i32
        %add3A_535 = arith.constant 5 : i32
        %add3A_536 = arith.addi %add3A_534, %add3A_535 : i32
        %mul3A_537 = arith.constant 32 : i32
        %mul3A_538 = arith.muli %add3A_536, %mul3A_537 : i32
        %add3A_539 = arith.addi %mul3A_538, %add3A : i32
        %mul3A_540 = arith.constant 160 : i32
        %mul3A_541 = arith.muli %add3A_539, %mul3A_540 : i32
        %dma_wait3A_542 = arith.constant 3 : i32
        %dma_wait3A_543 = tpu.memref_slice %arg3[%mul3A_541] : memref<819200xi32, #tpu.memory_space<hbm>> -> memref<160xi32, #tpu.memory_space<hbm>>
        %dma_wait3A_544 = tpu.memref_slice %arg11[%dma_wait3A_542] : memref<5x!tpu.dma_semaphore, #tpu.memory_space<semaphore_mem>> -> memref<1x!tpu.dma_semaphore, #tpu.memory_space<semaphore_mem>>
        %dma_wait3A_545 = tpu.memref_squeeze %dma_wait3A_544 : memref<1x!tpu.dma_semaphore, #tpu.memory_space<semaphore_mem>> -> memref<!tpu.dma_semaphore, #tpu.memory_space<semaphore_mem>>
        %dma_wait3A_546 = tpu.memref_slice %arg3[%mul3A_541] : memref<819200xi32, #tpu.memory_space<hbm>> -> memref<160xi32, #tpu.memory_space<hbm>>
        tpu.wait_dma2 semaphore(%dma_wait3A_545 : memref<!tpu.dma_semaphore, #tpu.memory_space<semaphore_mem>>) src(%dma_wait3A_546 : memref<160xi32, #tpu.memory_space<hbm>>) dst(%arg8 : memref<160xi32, #tpu.memory_space<vmem>>)
        %dma_start3A_547 = arith.constant 3 : i32
        %dma_start3A_548 = arith.constant 3 : i32
        %dma_start3A_549 = arith.constant 0 : i32
        %dma_start3A_550 = arith.constant 0 : i32
        %dma_start3A_551 = tpu.memref_slice %arg10[%dma_start3A_547, %dma_start3A_549, %dma_start3A_550] : memref<5x160x128xf32, #tpu.memory_space<vmem>> -> memref<1x160x128xf32, #tpu.memory_space<vmem>>
        %dma_start3A_552 = tpu.memref_squeeze %dma_start3A_551 : memref<1x160x128xf32, #tpu.memory_space<vmem>> -> memref<160x128xf32, #tpu.memory_space<vmem>>
        %dma_start3A_553 = arith.constant 0 : i32
        %dma_start3A_554 = arith.constant 0 : i32
        %dma_start3A_555 = tpu.memref_slice %arg2[%dma_start3A_553, %dma_start3A_554] : memref<100000x128xf32, #tpu.memory_space<hbm>> -> memref<100000x128xf32, #tpu.memory_space<hbm>>
        %dma_start3A_556 = tpu.memref_slice %arg12[%dma_start3A_548] : memref<5x!tpu.dma_semaphore, #tpu.memory_space<semaphore_mem>> -> memref<1x!tpu.dma_semaphore, #tpu.memory_space<semaphore_mem>>
        %dma_start3A_557 = tpu.memref_squeeze %dma_start3A_556 : memref<1x!tpu.dma_semaphore, #tpu.memory_space<semaphore_mem>> -> memref<!tpu.dma_semaphore, #tpu.memory_space<semaphore_mem>>
        tpu.enqueue_indirect_dma source(%dma_start3A_555 : memref<100000x128xf32, #tpu.memory_space<hbm>>) target(%dma_start3A_552 : memref<160x128xf32, #tpu.memory_space<vmem>>) offsets(%arg8 : memref<160xi32, #tpu.memory_space<vmem>>) semaphore(%dma_start3A_557 : memref<!tpu.dma_semaphore, #tpu.memory_space<semaphore_mem>>)
      } else {
      }
      %add3A_501 = arith.constant 4 : i32
      %add3A_502 = arith.addi %add3A_252, %add3A_501 : i32
      %add3A_503 = arith.constant 5 : i32
      %add3A_504 = arith.addi %add3A_502, %add3A_503 : i32
      %lt3A_505 = arith.constant 160 : i32
      %lt3A_506 = arith.cmpi slt, %add3A_504, %lt3A_505 : i32
      %convert_element_type3A_507 = arith.extui %lt3A_506 : i1 to i32
      %cond3A_508 = arith.constant 0 : i32
      %cond3A_509 = arith.cmpi ne, %convert_element_type3A_507, %cond3A_508 : i32
      scf.if %cond3A_509 {
        %add3A_510 = arith.constant 4 : i32
        %add3A_511 = arith.addi %add3A_252, %add3A_510 : i32
        %mul3A_512 = arith.constant 32 : i32
        %mul3A_513 = arith.muli %add3A_511, %mul3A_512 : i32
        %add3A_514 = arith.addi %mul3A_513, %add3A : i32
        %mul3A_515 = arith.constant 160 : i32
        %mul3A_516 = arith.muli %add3A_514, %mul3A_515 : i32
        %dma_wait3A_517 = arith.constant 4 : i32
        %dma_wait3A_518 = arith.constant 4 : i32
        %dma_wait3A_519 = arith.constant 0 : i32
        %dma_wait3A_520 = arith.constant 0 : i32
        %dma_wait3A_521 = tpu.memref_slice %arg10[%dma_wait3A_517, %dma_wait3A_519, %dma_wait3A_520] : memref<5x160x128xf32, #tpu.memory_space<vmem>> -> memref<1x160x128xf32, #tpu.memory_space<vmem>>
        %dma_wait3A_522 = tpu.memref_squeeze %dma_wait3A_521 : memref<1x160x128xf32, #tpu.memory_space<vmem>> -> memref<160x128xf32, #tpu.memory_space<vmem>>
        %dma_wait3A_523 = arith.constant 0 : i32
        %dma_wait3A_524 = tpu.memref_slice %arg4[%mul3A_516, %dma_wait3A_523] : memref<819200x128xf32, #tpu.memory_space<hbm>> -> memref<160x128xf32, #tpu.memory_space<hbm>>
        %dma_wait3A_525 = tpu.memref_slice %arg13[%dma_wait3A_518] : memref<5x!tpu.dma_semaphore, #tpu.memory_space<semaphore_mem>> -> memref<1x!tpu.dma_semaphore, #tpu.memory_space<semaphore_mem>>
        %dma_wait3A_526 = tpu.memref_squeeze %dma_wait3A_525 : memref<1x!tpu.dma_semaphore, #tpu.memory_space<semaphore_mem>> -> memref<!tpu.dma_semaphore, #tpu.memory_space<semaphore_mem>>
        %dma_wait3A_527 = arith.constant 0 : i32
        %dma_wait3A_528 = tpu.memref_slice %arg4[%mul3A_516, %dma_wait3A_527] : memref<819200x128xf32, #tpu.memory_space<hbm>> -> memref<160x128xf32, #tpu.memory_space<hbm>>
        %dma_wait3A_529 = arith.constant 0 : i32
        %dma_wait3A_530 = arith.constant 0 : i32
        %dma_wait3A_531 = tpu.memref_slice %arg10[%dma_wait3A_517, %dma_wait3A_529, %dma_wait3A_530] : memref<5x160x128xf32, #tpu.memory_space<vmem>> -> memref<1x160x128xf32, #tpu.memory_space<vmem>>
        %dma_wait3A_532 = tpu.memref_squeeze %dma_wait3A_531 : memref<1x160x128xf32, #tpu.memory_space<vmem>> -> memref<160x128xf32, #tpu.memory_space<vmem>>
        tpu.wait_dma2 semaphore(%dma_wait3A_526 : memref<!tpu.dma_semaphore, #tpu.memory_space<semaphore_mem>>) src(%dma_wait3A_532 : memref<160x128xf32, #tpu.memory_space<vmem>>) dst(%dma_wait3A_528 : memref<160x128xf32, #tpu.memory_space<hbm>>)
        %add3A_533 = arith.constant 4 : i32
        %add3A_534 = arith.addi %add3A_252, %add3A_533 : i32
        %add3A_535 = arith.constant 5 : i32
        %add3A_536 = arith.addi %add3A_534, %add3A_535 : i32
        %mul3A_537 = arith.constant 32 : i32
        %mul3A_538 = arith.muli %add3A_536, %mul3A_537 : i32
        %add3A_539 = arith.addi %mul3A_538, %add3A : i32
        %mul3A_540 = arith.constant 160 : i32
        %mul3A_541 = arith.muli %add3A_539, %mul3A_540 : i32
        %dma_wait3A_542 = arith.constant 4 : i32
        %dma_wait3A_543 = tpu.memref_slice %arg3[%mul3A_541] : memref<819200xi32, #tpu.memory_space<hbm>> -> memref<160xi32, #tpu.memory_space<hbm>>
        %dma_wait3A_544 = tpu.memref_slice %arg11[%dma_wait3A_542] : memref<5x!tpu.dma_semaphore, #tpu.memory_space<semaphore_mem>> -> memref<1x!tpu.dma_semaphore, #tpu.memory_space<semaphore_mem>>
        %dma_wait3A_545 = tpu.memref_squeeze %dma_wait3A_544 : memref<1x!tpu.dma_semaphore, #tpu.memory_space<semaphore_mem>> -> memref<!tpu.dma_semaphore, #tpu.memory_space<semaphore_mem>>
        %dma_wait3A_546 = tpu.memref_slice %arg3[%mul3A_541] : memref<819200xi32, #tpu.memory_space<hbm>> -> memref<160xi32, #tpu.memory_space<hbm>>
        tpu.wait_dma2 semaphore(%dma_wait3A_545 : memref<!tpu.dma_semaphore, #tpu.memory_space<semaphore_mem>>) src(%dma_wait3A_546 : memref<160xi32, #tpu.memory_space<hbm>>) dst(%arg9 : memref<160xi32, #tpu.memory_space<vmem>>)
        %dma_start3A_547 = arith.constant 4 : i32
        %dma_start3A_548 = arith.constant 4 : i32
        %dma_start3A_549 = arith.constant 0 : i32
        %dma_start3A_550 = arith.constant 0 : i32
        %dma_start3A_551 = tpu.memref_slice %arg10[%dma_start3A_547, %dma_start3A_549, %dma_start3A_550] : memref<5x160x128xf32, #tpu.memory_space<vmem>> -> memref<1x160x128xf32, #tpu.memory_space<vmem>>
        %dma_start3A_552 = tpu.memref_squeeze %dma_start3A_551 : memref<1x160x128xf32, #tpu.memory_space<vmem>> -> memref<160x128xf32, #tpu.memory_space<vmem>>
        %dma_start3A_553 = arith.constant 0 : i32
        %dma_start3A_554 = arith.constant 0 : i32
        %dma_start3A_555 = tpu.memref_slice %arg2[%dma_start3A_553, %dma_start3A_554] : memref<100000x128xf32, #tpu.memory_space<hbm>> -> memref<100000x128xf32, #tpu.memory_space<hbm>>
        %dma_start3A_556 = tpu.memref_slice %arg12[%dma_start3A_548] : memref<5x!tpu.dma_semaphore, #tpu.memory_space<semaphore_mem>> -> memref<1x!tpu.dma_semaphore, #tpu.memory_space<semaphore_mem>>
        %dma_start3A_557 = tpu.memref_squeeze %dma_start3A_556 : memref<1x!tpu.dma_semaphore, #tpu.memory_space<semaphore_mem>> -> memref<!tpu.dma_semaphore, #tpu.memory_space<semaphore_mem>>
        tpu.enqueue_indirect_dma source(%dma_start3A_555 : memref<100000x128xf32, #tpu.memory_space<hbm>>) target(%dma_start3A_552 : memref<160x128xf32, #tpu.memory_space<vmem>>) offsets(%arg9 : memref<160xi32, #tpu.memory_space<vmem>>) semaphore(%dma_start3A_557 : memref<!tpu.dma_semaphore, #tpu.memory_space<semaphore_mem>>)
      } else {
      }
    }
    %scan3A_147 = arith.constant 32 : i32
    %add3A_148 = arith.constant 4960 : i32
    %add3A_149 = arith.addi %add3A_148, %add3A : i32
    %mul3A_150 = arith.constant 160 : i32
    %mul3A_151 = arith.muli %add3A_149, %mul3A_150 : i32
    %dma_wait3A_152 = arith.constant 0 : i32
    %dma_wait3A_153 = arith.constant 0 : i32
    %dma_wait3A_154 = arith.constant 0 : i32
    %dma_wait3A_155 = arith.constant 0 : i32
    %dma_wait3A_156 = tpu.memref_slice %arg10[%dma_wait3A_152, %dma_wait3A_154, %dma_wait3A_155] : memref<5x160x128xf32, #tpu.memory_space<vmem>> -> memref<1x160x128xf32, #tpu.memory_space<vmem>>
    %dma_wait3A_157 = tpu.memref_squeeze %dma_wait3A_156 : memref<1x160x128xf32, #tpu.memory_space<vmem>> -> memref<160x128xf32, #tpu.memory_space<vmem>>
    %dma_wait3A_158 = arith.constant 0 : i32
    %dma_wait3A_159 = tpu.memref_slice %arg4[%mul3A_151, %dma_wait3A_158] : memref<819200x128xf32, #tpu.memory_space<hbm>> -> memref<160x128xf32, #tpu.memory_space<hbm>>
    %dma_wait3A_160 = tpu.memref_slice %arg13[%dma_wait3A_153] : memref<5x!tpu.dma_semaphore, #tpu.memory_space<semaphore_mem>> -> memref<1x!tpu.dma_semaphore, #tpu.memory_space<semaphore_mem>>
    %dma_wait3A_161 = tpu.memref_squeeze %dma_wait3A_160 : memref<1x!tpu.dma_semaphore, #tpu.memory_space<semaphore_mem>> -> memref<!tpu.dma_semaphore, #tpu.memory_space<semaphore_mem>>
    %dma_wait3A_162 = arith.constant 0 : i32
    %dma_wait3A_163 = tpu.memref_slice %arg4[%mul3A_151, %dma_wait3A_162] : memref<819200x128xf32, #tpu.memory_space<hbm>> -> memref<160x128xf32, #tpu.memory_space<hbm>>
    %dma_wait3A_164 = arith.constant 0 : i32
    %dma_wait3A_165 = arith.constant 0 : i32
    %dma_wait3A_166 = tpu.memref_slice %arg10[%dma_wait3A_152, %dma_wait3A_164, %dma_wait3A_165] : memref<5x160x128xf32, #tpu.memory_space<vmem>> -> memref<1x160x128xf32, #tpu.memory_space<vmem>>
    %dma_wait3A_167 = tpu.memref_squeeze %dma_wait3A_166 : memref<1x160x128xf32, #tpu.memory_space<vmem>> -> memref<160x128xf32, #tpu.memory_space<vmem>>
    tpu.wait_dma2 semaphore(%dma_wait3A_161 : memref<!tpu.dma_semaphore, #tpu.memory_space<semaphore_mem>>) src(%dma_wait3A_167 : memref<160x128xf32, #tpu.memory_space<vmem>>) dst(%dma_wait3A_163 : memref<160x128xf32, #tpu.memory_space<hbm>>)
    %add3A_168 = arith.constant 4992 : i32
    %add3A_169 = arith.addi %add3A_168, %add3A : i32
    %mul3A_170 = arith.constant 160 : i32
    %mul3A_171 = arith.muli %add3A_169, %mul3A_170 : i32
    %dma_wait3A_172 = arith.constant 1 : i32
    %dma_wait3A_173 = arith.constant 1 : i32
    %dma_wait3A_174 = arith.constant 0 : i32
    %dma_wait3A_175 = arith.constant 0 : i32
    %dma_wait3A_176 = tpu.memref_slice %arg10[%dma_wait3A_172, %dma_wait3A_174, %dma_wait3A_175] : memref<5x160x128xf32, #tpu.memory_space<vmem>> -> memref<1x160x128xf32, #tpu.memory_space<vmem>>
    %dma_wait3A_177 = tpu.memref_squeeze %dma_wait3A_176 : memref<1x160x128xf32, #tpu.memory_space<vmem>> -> memref<160x128xf32, #tpu.memory_space<vmem>>
    %dma_wait3A_178 = arith.constant 0 : i32
    %dma_wait3A_179 = tpu.memref_slice %arg4[%mul3A_171, %dma_wait3A_178] : memref<819200x128xf32, #tpu.memory_space<hbm>> -> memref<160x128xf32, #tpu.memory_space<hbm>>
    %dma_wait3A_180 = tpu.memref_slice %arg13[%dma_wait3A_173] : memref<5x!tpu.dma_semaphore, #tpu.memory_space<semaphore_mem>> -> memref<1x!tpu.dma_semaphore, #tpu.memory_space<semaphore_mem>>
    %dma_wait3A_181 = tpu.memref_squeeze %dma_wait3A_180 : memref<1x!tpu.dma_semaphore, #tpu.memory_space<semaphore_mem>> -> memref<!tpu.dma_semaphore, #tpu.memory_space<semaphore_mem>>
    %dma_wait3A_182 = arith.constant 0 : i32
    %dma_wait3A_183 = tpu.memref_slice %arg4[%mul3A_171, %dma_wait3A_182] : memref<819200x128xf32, #tpu.memory_space<hbm>> -> memref<160x128xf32, #tpu.memory_space<hbm>>
    %dma_wait3A_184 = arith.constant 0 : i32
    %dma_wait3A_185 = arith.constant 0 : i32
    %dma_wait3A_186 = tpu.memref_slice %arg10[%dma_wait3A_172, %dma_wait3A_184, %dma_wait3A_185] : memref<5x160x128xf32, #tpu.memory_space<vmem>> -> memref<1x160x128xf32, #tpu.memory_space<vmem>>
    %dma_wait3A_187 = tpu.memref_squeeze %dma_wait3A_186 : memref<1x160x128xf32, #tpu.memory_space<vmem>> -> memref<160x128xf32, #tpu.memory_space<vmem>>
    tpu.wait_dma2 semaphore(%dma_wait3A_181 : memref<!tpu.dma_semaphore, #tpu.memory_space<semaphore_mem>>) src(%dma_wait3A_187 : memref<160x128xf32, #tpu.memory_space<vmem>>) dst(%dma_wait3A_183 : memref<160x128xf32, #tpu.memory_space<hbm>>)
    %add3A_188 = arith.constant 5024 : i32
    %add3A_189 = arith.addi %add3A_188, %add3A : i32
    %mul3A_190 = arith.constant 160 : i32
    %mul3A_191 = arith.muli %add3A_189, %mul3A_190 : i32
    %dma_wait3A_192 = arith.constant 2 : i32
    %dma_wait3A_193 = arith.constant 2 : i32
    %dma_wait3A_194 = arith.constant 0 : i32
    %dma_wait3A_195 = arith.constant 0 : i32
    %dma_wait3A_196 = tpu.memref_slice %arg10[%dma_wait3A_192, %dma_wait3A_194, %dma_wait3A_195] : memref<5x160x128xf32, #tpu.memory_space<vmem>> -> memref<1x160x128xf32, #tpu.memory_space<vmem>>
    %dma_wait3A_197 = tpu.memref_squeeze %dma_wait3A_196 : memref<1x160x128xf32, #tpu.memory_space<vmem>> -> memref<160x128xf32, #tpu.memory_space<vmem>>
    %dma_wait3A_198 = arith.constant 0 : i32
    %dma_wait3A_199 = tpu.memref_slice %arg4[%mul3A_191, %dma_wait3A_198] : memref<819200x128xf32, #tpu.memory_space<hbm>> -> memref<160x128xf32, #tpu.memory_space<hbm>>
    %dma_wait3A_200 = tpu.memref_slice %arg13[%dma_wait3A_193] : memref<5x!tpu.dma_semaphore, #tpu.memory_space<semaphore_mem>> -> memref<1x!tpu.dma_semaphore, #tpu.memory_space<semaphore_mem>>
    %dma_wait3A_201 = tpu.memref_squeeze %dma_wait3A_200 : memref<1x!tpu.dma_semaphore, #tpu.memory_space<semaphore_mem>> -> memref<!tpu.dma_semaphore, #tpu.memory_space<semaphore_mem>>
    %dma_wait3A_202 = arith.constant 0 : i32
    %dma_wait3A_203 = tpu.memref_slice %arg4[%mul3A_191, %dma_wait3A_202] : memref<819200x128xf32, #tpu.memory_space<hbm>> -> memref<160x128xf32, #tpu.memory_space<hbm>>
    %dma_wait3A_204 = arith.constant 0 : i32
    %dma_wait3A_205 = arith.constant 0 : i32
    %dma_wait3A_206 = tpu.memref_slice %arg10[%dma_wait3A_192, %dma_wait3A_204, %dma_wait3A_205] : memref<5x160x128xf32, #tpu.memory_space<vmem>> -> memref<1x160x128xf32, #tpu.memory_space<vmem>>
    %dma_wait3A_207 = tpu.memref_squeeze %dma_wait3A_206 : memref<1x160x128xf32, #tpu.memory_space<vmem>> -> memref<160x128xf32, #tpu.memory_space<vmem>>
    tpu.wait_dma2 semaphore(%dma_wait3A_201 : memref<!tpu.dma_semaphore, #tpu.memory_space<semaphore_mem>>) src(%dma_wait3A_207 : memref<160x128xf32, #tpu.memory_space<vmem>>) dst(%dma_wait3A_203 : memref<160x128xf32, #tpu.memory_space<hbm>>)
    %add3A_208 = arith.constant 5056 : i32
    %add3A_209 = arith.addi %add3A_208, %add3A : i32
    %mul3A_210 = arith.constant 160 : i32
    %mul3A_211 = arith.muli %add3A_209, %mul3A_210 : i32
    %dma_wait3A_212 = arith.constant 3 : i32
    %dma_wait3A_213 = arith.constant 3 : i32
    %dma_wait3A_214 = arith.constant 0 : i32
    %dma_wait3A_215 = arith.constant 0 : i32
    %dma_wait3A_216 = tpu.memref_slice %arg10[%dma_wait3A_212, %dma_wait3A_214, %dma_wait3A_215] : memref<5x160x128xf32, #tpu.memory_space<vmem>> -> memref<1x160x128xf32, #tpu.memory_space<vmem>>
    %dma_wait3A_217 = tpu.memref_squeeze %dma_wait3A_216 : memref<1x160x128xf32, #tpu.memory_space<vmem>> -> memref<160x128xf32, #tpu.memory_space<vmem>>
    %dma_wait3A_218 = arith.constant 0 : i32
    %dma_wait3A_219 = tpu.memref_slice %arg4[%mul3A_211, %dma_wait3A_218] : memref<819200x128xf32, #tpu.memory_space<hbm>> -> memref<160x128xf32, #tpu.memory_space<hbm>>
    %dma_wait3A_220 = tpu.memref_slice %arg13[%dma_wait3A_213] : memref<5x!tpu.dma_semaphore, #tpu.memory_space<semaphore_mem>> -> memref<1x!tpu.dma_semaphore, #tpu.memory_space<semaphore_mem>>
    %dma_wait3A_221 = tpu.memref_squeeze %dma_wait3A_220 : memref<1x!tpu.dma_semaphore, #tpu.memory_space<semaphore_mem>> -> memref<!tpu.dma_semaphore, #tpu.memory_space<semaphore_mem>>
    %dma_wait3A_222 = arith.constant 0 : i32
    %dma_wait3A_223 = tpu.memref_slice %arg4[%mul3A_211, %dma_wait3A_222] : memref<819200x128xf32, #tpu.memory_space<hbm>> -> memref<160x128xf32, #tpu.memory_space<hbm>>
    %dma_wait3A_224 = arith.constant 0 : i32
    %dma_wait3A_225 = arith.constant 0 : i32
    %dma_wait3A_226 = tpu.memref_slice %arg10[%dma_wait3A_212, %dma_wait3A_224, %dma_wait3A_225] : memref<5x160x128xf32, #tpu.memory_space<vmem>> -> memref<1x160x128xf32, #tpu.memory_space<vmem>>
    %dma_wait3A_227 = tpu.memref_squeeze %dma_wait3A_226 : memref<1x160x128xf32, #tpu.memory_space<vmem>> -> memref<160x128xf32, #tpu.memory_space<vmem>>
    tpu.wait_dma2 semaphore(%dma_wait3A_221 : memref<!tpu.dma_semaphore, #tpu.memory_space<semaphore_mem>>) src(%dma_wait3A_227 : memref<160x128xf32, #tpu.memory_space<vmem>>) dst(%dma_wait3A_223 : memref<160x128xf32, #tpu.memory_space<hbm>>)
    %add3A_228 = arith.constant 5088 : i32
    %add3A_229 = arith.addi %add3A_228, %add3A : i32
    %mul3A_230 = arith.constant 160 : i32
    %mul3A_231 = arith.muli %add3A_229, %mul3A_230 : i32
    %dma_wait3A_232 = arith.constant 4 : i32
    %dma_wait3A_233 = arith.constant 4 : i32
    %dma_wait3A_234 = arith.constant 0 : i32
    %dma_wait3A_235 = arith.constant 0 : i32
    %dma_wait3A_236 = tpu.memref_slice %arg10[%dma_wait3A_232, %dma_wait3A_234, %dma_wait3A_235] : memref<5x160x128xf32, #tpu.memory_space<vmem>> -> memref<1x160x128xf32, #tpu.memory_space<vmem>>
    %dma_wait3A_237 = tpu.memref_squeeze %dma_wait3A_236 : memref<1x160x128xf32, #tpu.memory_space<vmem>> -> memref<160x128xf32, #tpu.memory_space<vmem>>
    %dma_wait3A_238 = arith.constant 0 : i32
    %dma_wait3A_239 = tpu.memref_slice %arg4[%mul3A_231, %dma_wait3A_238] : memref<819200x128xf32, #tpu.memory_space<hbm>> -> memref<160x128xf32, #tpu.memory_space<hbm>>
    %dma_wait3A_240 = tpu.memref_slice %arg13[%dma_wait3A_233] : memref<5x!tpu.dma_semaphore, #tpu.memory_space<semaphore_mem>> -> memref<1x!tpu.dma_semaphore, #tpu.memory_space<semaphore_mem>>
    %dma_wait3A_241 = tpu.memref_squeeze %dma_wait3A_240 : memref<1x!tpu.dma_semaphore, #tpu.memory_space<semaphore_mem>> -> memref<!tpu.dma_semaphore, #tpu.memory_space<semaphore_mem>>
    %dma_wait3A_242 = arith.constant 0 : i32
    %dma_wait3A_243 = tpu.memref_slice %arg4[%mul3A_231, %dma_wait3A_242] : memref<819200x128xf32, #tpu.memory_space<hbm>> -> memref<160x128xf32, #tpu.memory_space<hbm>>
    %dma_wait3A_244 = arith.constant 0 : i32
    %dma_wait3A_245 = arith.constant 0 : i32
    %dma_wait3A_246 = tpu.memref_slice %arg10[%dma_wait3A_232, %dma_wait3A_244, %dma_wait3A_245] : memref<5x160x128xf32, #tpu.memory_space<vmem>> -> memref<1x160x128xf32, #tpu.memory_space<vmem>>
    %dma_wait3A_247 = tpu.memref_squeeze %dma_wait3A_246 : memref<1x160x128xf32, #tpu.memory_space<vmem>> -> memref<160x128xf32, #tpu.memory_space<vmem>>
    tpu.wait_dma2 semaphore(%dma_wait3A_241 : memref<!tpu.dma_semaphore, #tpu.memory_space<semaphore_mem>>) src(%dma_wait3A_247 : memref<160x128xf32, #tpu.memory_space<vmem>>) dst(%dma_wait3A_243 : memref<160x128xf32, #tpu.memory_space<hbm>>)
    return
  }
}

</mosaic_0001>

<sc_bundles>
// kernel: kernel.3.cloned.1.call-start
scs
__scs_entry_jumppad:
0x0: {  	(pc) =	sbr.rel $0x88, $3  }
0x1: {  	(tag) =	ssettag $0x0;
	lr =	simm.s32 $0x1  }
0x2: {  	[smem:$0x3F9F] =	sst lr;
	_ =	strace $0xD0000000  }
0x3: {  	_ = 	snop  }
0x4: {  	_ = 	snop  }
0x5: {  	_ = 	snop  }
0x6: {  	_ = 	snop  }
0x7: {  	_ = 	snop  }
__scs_overlays_trampoline_lowered:
0x8: {  	[smem:$0x3FAE] =	sst s0  }
0x9: {  	[smem:$0x3FAF] =	sst s1  }
0xa: {  	[smem:$0x3FB0] =	sst s2  }
0xb: {  	[smem:$0x3FB1] =	sst s3  }
0xc: {  	[smem:$0x3FB2] =	sst s4  }
0xd: {  	[smem:$0x3FB3] =	sst s5  }
0xe: {  	[smem:$0x3FB4] =	sst s6  }
0xf: {  	[smem:$0x3FB5] =	sst s7  }
0x10: {  	[smem:$0x3FB6] =	sst s8  }
0x11: {  	[smem:$0x3FB7] =	sst s9;
	s0 =	simm.s32 @!p0 $0x0  }
0x12: {  	s1 =	sld [smem:$0x3F9D];
	s0 =	simm.s32 @p0 $0x1  }
0x13: {  	[smem:$0x3FB8] =	sst s0;
	s0 =	simm.s32 @!p1 $0x0  }
0x14: {  	s2 =	sld [smem:$0x3F9C];
	s0 =	simm.s32 @p1 $0x1  }
0x15: {  	[smem:$0x3FB9] =	sst s0;
	s0 =	simm.s32 @!p2 $0x0  }
0x16: {  	s3 =	sld [smem:$0x3FDB];
	s0 =	simm.s32 @p2 $0x1  }
0x17: {  	s4 =	simm.s32 $0x1BF5;
	[smem:$0x3FBB] =	sst s0  }
0x18: {  	s0 =	sld [smem:$0x3F9E];
	_ =	swait.ge [sflag:s4], $0x0  }
0x19: {  	s7 =	sld [smem:$0x3F9F]  }
0x1a: {  	s8 =	sadd.s32 $0xFFFFE003, lr  }
0x1b: {  	s9 =	sadd.s32 $0xFFFFFEF7, lr;
	s5 =	simm.s32 $0xFFFFFFFF;
	p2 =	slt.u32 s8, $0xFFFFF086  }
0x1c: {  	p1 =	slt.u32 s9, $0xF7A;
	s5 =	simm.s32 @!p2 $0x0  }
0x1d: {  	s5 =	simm.s32 @p1 $0x1;
	p0 =	seq.s32 s7, s2  }
0x1e: {  	s7 =	smul.u32 @!p0 $0xF7A, s2;
	p2 =	seq.s32 @!p0 s5, $0x0  }
0x1f: {  	s9 =	smul.u32 $0xF7A, s1;
	s8 =	simm.s32 @!p0 $0x1BF5;
	p2 =	por !p2, p0  }
0x20: {  	[sflag:s8] =	ssyncset.s32 @!p0 $0xFFFFF086;
	s6 =	sadd.s32 @!p0 s3, s7;
	s7 =	simm.s32 @!p0 $0x108  }
0x21: {  	s3 =	sadd.s32 s3, s9;
	s6 =	sadd.s32 @!p0 $0x88, s6;
	s7 =	simm.s32 @p2 $0x1082  }
0x22: {  	[simem:s7], [sflag:s8] =	dma.local @!p0 [hbm:s6], $0xF7A  }
0x23: {  	s9 =	sor.u32 $0xD0000000, s2;
	s6 =	simm.s32 $0x108;
	_ =	swait.ge @!p0 [sflag:s8], $0x0  }
0x24: {  	s3 =	sadd.s32 $0x88, s3;
	s6 =	simm.s32 @!p1 $0x1082;
	[sflag:s4] =	ssyncset.s32 $0xFFFFF086  }
0x25: {  	[simem:s6], [sflag:s4] =	dma.local [hbm:s3], $0xF7A  }
0x26: {  	[smem:$0x3F9F] =	sst s1;
	(tag) =	ssettag s2;
	_ =	strace s9  }
0x27: {  	s1 =	sld [smem:$0x3FAF]  }
0x28: {  	s2 =	sld [smem:$0x3FB0]  }
0x29: {  	s4 =	sld [smem:$0x3FB2]  }
0x2a: {  	p0 =	seq.s32 s5, $0x0;
	s5 =	sld [smem:$0x3FB3]  }
0x2b: {  	s6 =	sld [smem:$0x3FB4]  }
0x2c: {  	s7 =	sld [smem:$0x3FB5]  }
0x2d: {  	s3 =	simm.s32 $0x108;
	s8 =	sld [smem:$0x3FB6]  }
0x2e: {  	s3 =	simm.s32 @!p0 $0x1082;
	s9 =	sld [smem:$0x3FB7]  }
0x2f: {  	lr =	sadd.s32 s0, s3;
	s0 =	sld [smem:$0x3FAE]  }
0x30: {  	s3 =	sld [smem:$0x3FB1]  }
0x31: {  	[smem:$0x3FBA] =	sst s10  }
0x32: {  	s10 =	sld [smem:$0x3FB8];
	_ =	sdelay $0x3  }
0x33: {  	p0 =	seq.s32 s10, $0x1;
	s10 =	sld [smem:$0x3FBA];
	_ =	sdelay $0x3  }
0x34: {  	[smem:$0x3FBA] =	sst s10  }
0x35: {  	s10 =	sld [smem:$0x3FB9];
	_ =	sdelay $0x3  }
0x36: {  	p1 =	seq.s32 s10, $0x1;
	s10 =	sld [smem:$0x3FBA];
	_ =	sdelay $0x3  }
0x37: {  	[smem:$0x3FBA] =	sst s10  }
0x38: {  	s10 =	sld [smem:$0x3FBB]  }
0x39: {  	_ = 	snop;
	(pc) =	sbr.ind lr, $3  }
0x3a: {  	_ = 	snop  }
0x3b: {  	_ = 	snop  }
0x3c: {  	p2 =	seq.s32 s10, $0x1;
	s10 =	sld [smem:$0x3FBA]  }
0x3d: {  	_ =	shalt  }
0x3e: {  	_ =	shalt  }
0x3f: {  	_ =	shalt  }
0x40: {  	_ =	shalt  }
0x41: {  	_ =	shalt  }
0x42: {  	_ =	shalt  }
0x43: {  	_ =	shalt  }
0x44: {  	_ =	shalt  }
0x45: {  	_ =	shalt  }
0x46: {  	_ =	shalt  }
0x47: {  	_ =	shalt  }
0x48: {  	_ =	shalt  }
0x49: {  	_ =	shalt  }
0x4a: {  	_ =	shalt  }
0x4b: {  	_ =	shalt  }
0x4c: {  	_ =	shalt  }
0x4d: {  	_ =	shalt  }
0x4e: {  	_ =	shalt  }
0x4f: {  	_ =	shalt  }
0x50: {  	_ =	shalt  }
0x51: {  	_ =	shalt  }
0x52: {  	_ =	shalt  }
0x53: {  	_ =	shalt  }
0x54: {  	_ =	shalt  }
0x55: {  	_ =	shalt  }
0x56: {  	_ =	shalt  }
0x57: {  	_ =	shalt  }
0x58: {  	_ =	shalt  }
0x59: {  	_ =	shalt  }
0x5a: {  	_ =	shalt  }
0x5b: {  	_ =	shalt  }
0x5c: {  	_ =	shalt  }
0x5d: {  	_ =	shalt  }
0x5e: {  	_ =	shalt  }
0x5f: {  	_ =	shalt  }
0x60: {  	_ =	shalt  }
0x61: {  	_ =	shalt  }
0x62: {  	_ =	shalt  }
0x63: {  	_ =	shalt  }
0x64: {  	_ =	shalt  }
0x65: {  	_ =	shalt  }
0x66: {  	_ =	shalt  }
0x67: {  	_ =	shalt  }
0x68: {  	_ =	shalt  }
0x69: {  	_ =	shalt  }
0x6a: {  	_ =	shalt  }
0x6b: {  	_ =	shalt  }
0x6c: {  	_ =	shalt  }
0x6d: {  	_ =	shalt  }
0x6e: {  	_ =	shalt  }
0x6f: {  	_ =	shalt  }
0x70: {  	_ =	shalt  }
0x71: {  	_ =	shalt  }
0x72: {  	_ =	shalt  }
0x73: {  	_ =	shalt  }
0x74: {  	_ =	shalt  }
0x75: {  	_ =	shalt  }
0x76: {  	_ =	shalt  }
0x77: {  	_ =	shalt  }
0x78: {  	_ =	shalt  }
0x79: {  	_ =	shalt  }
0x7a: {  	_ =	shalt  }
0x7b: {  	_ =	shalt  }
0x7c: {  	_ =	shalt  }
0x7d: {  	_ =	shalt  }
0x7e: {  	_ =	shalt  }
0x7f: {  	_ =	shalt  }
0x80: {  	_ =	shalt  }
0x81: {  	_ =	shalt  }
0x82: {  	_ =	shalt  }
0x83: {  	_ =	shalt  }
0x84: {  	_ =	shalt  }
0x85: {  	_ =	shalt  }
0x86: {  	_ =	shalt  }
0x87: {  	_ =	shalt  }
.Lfunc_end0:
.L_simem_size_0:
called_computation_lowered:
.L_overlay_start_0:
0x88: {  	s2 =	sld [smem:$0x3FD9]  }
0x89: {  	s3 =	sld [smem:$0x3FFE];
	_ =	sdelay $0x1  }
0x8a: {  	s1 =	srdreg.scid  }
0x8b: {  	s0 =	sand.u32 $0x1, s1  }
0x8c: {  	s17 =	sshll.u32 s0, $0xA;
	s2 =	sadd.s32 s3, s2  }
0x8d: {  	s2 =	sadd.s32 s2, s17  }
0x8e: {  	[smem:$0x3FC6] =	sst s2  }
0x8f: {  	_ = 	snop  }
0x90: {  	s2 =	sld [smem:$0x3FC8]  }
0x91: {  	s18 =	sld [smem:$0x3FD0];
	(tm) =	ssettm $0x1  }
0x92: {  	s4 =	sld [smem:$0x3FFB];
	_ =	sdelay $0x3  }
0x93: {  	_ =	strace s4  }
0x94: {  	s4 =	sld [smem:$0x3FFC];
	_ =	sdelay $0x3  }
0x95: {  	_ =	strace s4  }
0x96: {  	s4 =	sld [smem:$0x3FFD];
	_ =	sdelay $0x3  }
0x97: {  	_ =	strace s4  }
0x98: {  	_ =	strace $0x8FFFFFFF  }
0x99: {  	s19 =	sld [smem:$0x3FDB];
	_ =	sdelay $0x1  }
0x9a: {  	s5 =	simm.s32 $_scs_section_size  }
0x9b: {  	s6 =	simm.s32 $_size__tile_overlayer_lowered;
	s7 =	simm.s32 $_tile_overlayer_lowered  }
0x9c: {  	s22 =	simm.s32 $0x1BFF;
	s21 =	sshll.u32 s7, $0x1;
	s4 =	sadd.s32 s5, s19  }
0x9d: {  	s8 =	simm.s32 $0x0;
	s20 =	sshll.u32 s6, $0x1;
	s6 =	sadd.s32 s21, s4  }
0x9e: {  	[timem:s8], [sflag:s22] =	dma.local [hbm:s6], s20  }
0x9f: {  	_ =	swait.ge [sflag:s22], s20  }
0xa0: {  	s5 =	ssub.s32 $0x0, s20;
	[sflag:s22] =	ssyncset.done $0x0  }
0xa1: {  	[sflag:s22] =	ssyncadd.s32 s5;
	_ =	sdelay $0x1  }
0xa2: {  	s23 =	simm.s32 $0x1B8B  }
0xa3: {  	_ =	swait.ge [sflag:s23], $0x1  }
0xa4: {  	[sflag:s23] =	ssyncset.done $0x0  }
0xa5: {  	s25 =	simm.s32 $0x1B8E;
	s24 =	sld [smem:$0x3FFE];
	[sflag:s23] =	ssyncadd.s32 $0xFFFFFFFF  }
0xa6: {  	s26 =	simm.s32 $execute0_lowered;
	[smem:$0x3FD2] =	sst s25  }
0xa7: {  	s6 =	sshll.u32 s26, $0x1;
	_ =	strace $0x80000046;
	[dreg:$0x1] =	wrdreg $0xFFFFFFFF  }
0xa8: {  	s28 =	simm.s32 $_size_execute0_lowered;
	s4 =	sadd.s32 s4, s6;
	[dreg:$0x0] =	wrdreg $0x0  }
0xa9: {  	s6 =	sshll.u32 s28, $0x1;
	[dreg:$0x2] =	wrdreg s4  }
0xaa: {  	[dreg:$0x3] =	wrdreg s6  }
0xab: {  	[dreg:$0x4] =	wrdreg $0xC0  }
0xac: {  	_ =	task [dreg:s8], $0x5FFFF  }
0xad: {  	[dreg:$0x1] =	wrdreg $0xFFFFFFFF  }
0xae: {  	[dreg:$0x0] =	wrdreg $0x60  }
0xaf: {  	[dreg:$0x2] =	wrdreg s2  }
0xb0: {  	[dreg:$0x3] =	wrdreg s24  }
0xb1: {  	[dreg:$0x4] =	wrdreg s18  }
0xb2: {  	[dreg:$0x5] =	wrdreg $0x9  }
0xb3: {  	_ =	task.clear_ibuf [dreg:s8], $0x6FFFF;
	_ =	strace $0x90000046  }
0xb4: {  	s29 =	simm.s32 $0x9;
	_ =	strace $0x80000048  }
0xb5: {  	_ =	swait.ge [sflag:s29], $0x1  }
0xb6: {  	[sflag:s29] =	ssyncadd.s32 $0xFFFFFFFF  }
0xb7: {  	_ =	strace $0x90000048  }
0xb8: {  	_ =	sfence  }
0xb9: {  	s30 =	sld [smem:$0x0];
	_ =	sdelay $0x2  }
0xba: {  	s31 =	sshll.u32 s1, $0xD;
	s1 =	sshrl.u32 s1, $0x2  }
0xbb: {  	s3 =	sand.u32 $0x4000, s31;
	s1 =	sadd.s32 s1, s30  }
0xbc: {  	s0 =	sor.u32 s3, s0;
	s1 =	sshll.u32 s1, $0x11  }
0xbd: {  	s0 =	sor.u32 s1, s0  }
0xbe: {  	s0 =	sadd.s32 $0x8F2B, s0  }
0xbf: {  	[sflag:s0] =	ssyncadd.remote.s32 $0x1  }
0xc0: {  	_ =	sfence.sel $0xFFFF  }
0xc1: {  	[dreg:$0x0] =	wrdreg $0xFFFFFFFF;
	(pc) =	sbr.abs _section_cstart, $3  }
0xc2: {  	[dreg:$0x1] =	wrdreg $0xFFFFFFFF  }
0xc3: {  	_ =	task.clear_ibuf [dreg:s8], $0x2FFFF;
	_ =	strace $0x9FFFFFFF  }
0xc4: {  	(tm) =	ssettm $0x7FFFFFFF  }
0xc5: {  	_ =	shalt  }
tec
execute0_lowered:
.L_overlay_start_1:
0x0: {  	(tag) =	ssettag $0x1  }
0x1: {  	s1 =	rddreg [dreg:$0x0]  }
0x2: {  	s0 =	srdreg.scid;
	s2 =	rddreg [dreg:$0x1]  }
0x3: {  	s9 =	stileid.u32;
	s3 =	rddreg [dreg:$0x2];
	s5 =	simm.s32 $0x0  }
0x4: {  	s28 =	simm.s32 $0x1;
	s29 =	simm.s32 $0xA0;
	s30 =	simm.s32 $0x500  }
0x5: {  	s31 =	simm.s32 $0x2;
	s11 =	simm.s32 $0x14500;
	s12 =	simm.s32 $0xF  }
0x6: {  	s0 =	sand.u32 $0x1, s0;
	s4 =	sshll.u32 s9, $0x1;
	[smem:$0x7FF] =	sst s5  }
0x7: {  	s6 =	sadd.s32 $0x400, s2;
	s22 =	smul.u32 $0x28, s9;
	s9 =	simm.s32 $0xF500  }
0x8: {  	s10 =	sor.u32 s0, s4;
	s14 =	ssub.s32 $0x2, s0;
	_ =	strace $0x80000047  }
0x9: {  	s0 =	smul.u32 $0x14, s0;
	s18 =	sor.u32 $0xC0, s10;
	[dreg:$0x4] =	wrdreg s10  }
0xa: {  	s4 =	smul.u32 $0xA0, s10;
	s20 =	sor.u32 $0xE0, s10;
	[dreg:$0xa] =	wrdreg s18  }
0xb: {  	s7 =	smul.u32 $0x14, s10;
	s21 =	sor.u32 $0x40, s10;
	[dreg:$0xb] =	wrdreg s20  }
0xc: {  	s8 =	sshrl.u32 s14, $0x1;
	s23 =	sor.u32 $0x100, s10;
	[dreg:$0xc] =	wrdreg s21  }
0xd: {  	s13 =	sor.u32 $0x20, s10;
	s24 =	sor.u32 $0x60, s10;
	[dreg:$0xd] =	wrdreg s23  }
0xe: {  	s19 =	smul.u32 $0xA00, s10;
	s25 =	sor.u32 $0x120, s10;
	[dreg:$0xe] =	wrdreg s24  }
0xf: {  	s26 =	sor.u32 $0x80, s10;
	s10 =	simm.s32 $0x5;
	[dreg:$0xf] =	wrdreg s25  }
0x10: {  	s2 =	ssub.s32 s14, s8;
	[dreg:$0x10] =	wrdreg s26;
	s8 =	simm.s32 $0x4  }
0x11: {  	s20 =	simm.s32 $0x6;
	s21 =	simm.s32 $0x7;
	s23 =	simm.s32 $0xA  }
0x12: {  	s24 =	simm.s32 $0xB;
	s4 =	sshrl.u32 s4, $0x3;
	s7 =	sadd.s32 s6, s7  }
0x13: {  	s2 =	smax.u32 s2, $0x1;
	s4 =	sadd.s32 s6, s4;
	[dreg:$0x5] =	wrdreg s7  }
0x14: {  	s7 =	sadd.s32 s22, s6;
	[dreg:$0x12] =	wrdreg s2;
	s15 =	sadd.s32 $0x280, s4  }
0x15: {  	s22 =	simm.s32 $0x9;
	s16 =	sadd.s32 $0x500, s4;
	[dreg:$0x6] =	wrdreg s15  }
0x16: {  	s2 =	simm.s32 $0xC;
	s17 =	sadd.s32 $0x780, s4;
	[dreg:$0x7] =	wrdreg s16  }
.Ltmp0:
0x17: {  	s4 =	sadd.s32 $0xA00, s4;
	[dreg:$0x8] =	wrdreg s17;
	(pc) =	sbr.rel .LBB2_1-.Ltmp0, $4  }
0x18: {  	s0 =	sadd.s32 s0, s7;
	s7 =	simm.s32 $0xA500;
	[dreg:$0x9] =	wrdreg s4  }
0x19: {  	s4 =	sadd.s32 s19, s3;
	s0 =	sadd.s32 $0xC80, s0;
	s16 =	simm.s32 $0xE  }
0x1a: {  	s15 =	simm.s32 $0x0;
	s4 =	sadd.s32 $0xC6C000, s4;
	[dreg:$0x13] =	wrdreg s0  }
0x1b: {  	s0 =	simm.s32 $0x3;
	[dreg:$0x11] =	wrdreg s4;
	s4 =	simm.s32 $0xD  }
.LBB2_4:
0x1c: {  	s14 =	sadd.s32 s3, s19  }
0x1d: {  	[hbm4b:s14+s5] =	stream.linear.scatter [tilespmem:s9], [sflag:$0xE], $0x5000, $0x38;
	[tilespmem:$0x19500] =	vst v63  }
0x1e: {  	_ =	swait.ge [sflag:s23], $0x5000  }
0x1f: {  	[sflag:s23] =	ssyncset.done $0x0  }
0x20: {  	s25 =	rddreg [dreg:$0x11];
	[sflag:s23] =	ssyncadd.s32 $0xFFFFB000  }
0x21: {  	[hbm4b:s25+s5] =	stream.linear.scatter [tilespmem:s11], [sflag:$0xF], $0x5000, $0x38;
	[tilespmem:$0x19500] =	vst v63  }
0x22: {  	_ =	swait.ge [sflag:s24], $0x5000  }
0x23: {  	[sflag:s24] =	ssyncset.done $0x0  }
0x24: {  	[sflag:s24] =	ssyncadd.s32 $0xFFFFB000  }
0x25: {  	_ =	swait.ge [sflag:s2], $0x5000  }
0x26: {  	[sflag:s2] =	ssyncset.done $0x0  }
0x27: {  	[sflag:s2] =	ssyncadd.s32 $0xFFFFB000  }
0x28: {  	_ =	swait.ge [sflag:s4], $0x5000  }
0x29: {  	[sflag:s4] =	ssyncset.done $0x0  }
0x2a: {  	[sflag:s4] =	ssyncadd.s32 $0xFFFFB000  }
0x2b: {  	_ =	swait.ge [sflag:s16], $0x5000  }
0x2c: {  	[sflag:s16] =	ssyncset.done $0x0  }
0x2d: {  	[sflag:s16] =	ssyncadd.s32 $0xFFFFB000  }
0x2e: {  	_ =	swait.ge [sflag:s12], $0x5000  }
0x2f: {  	s15 =	rddreg [dreg:$0x14]  }
0x30: {  	s26 =	rddreg [dreg:$0x12];
	s15 =	sadd.s32 $0x1, s15  }
0x31: {  	p0 =	sne.s32 s15, s26  }
.Ltmp1:
0x32: {  	_ = 	snop;
	(pc) =	sbr.rel @!p0 .LBB2_5-.Ltmp1, $3  }
0x33: {  	_ =	sdelay $0x1  }
0x34: {  	[sflag:s12] =	ssyncset.done $0x0  }
0x35: {  	[sflag:s12] =	ssyncadd.s32 $0xFFFFB000  }
.LBB2_1:
0x36: {  	[dreg:$0x14] =	wrdreg s15  }
0x37: {  	s14 =	rddreg [dreg:$0x5]  }
0x38: {  	[tilespmem:s5], [sflag:$0x1] =	stream.linear.gather [hbm4b:s14+s5], $0xA0, $0x38;
	[tilespmem:$0x19500] =	vst v63  }
0x39: {  	s17 =	rddreg [dreg:$0x6];
	s15 =	simm.s32 $0x100  }
0x3a: {  	[tilespmem:s15], [sflag:$0x2] =	stream.linear.gather [hbm4b:s17+s5], $0xA0, $0x38;
	[tilespmem:$0x19500] =	vst v63  }
0x3b: {  	s18 =	rddreg [dreg:$0x7];
	s17 =	simm.s32 $0x200  }
0x3c: {  	[tilespmem:s17], [sflag:$0x3] =	stream.linear.gather [hbm4b:s18+s5], $0xA0, $0x38;
	[tilespmem:$0x19500] =	vst v63  }
0x3d: {  	s19 =	rddreg [dreg:$0x8];
	s18 =	simm.s32 $0x300  }
0x3e: {  	[tilespmem:s18], [sflag:$0x4] =	stream.linear.gather [hbm4b:s19+s5], $0xA0, $0x38;
	[tilespmem:$0x19500] =	vst v63  }
0x3f: {  	s25 =	rddreg [dreg:$0x9];
	s19 =	simm.s32 $0x400  }
0x40: {  	[tilespmem:s19], [sflag:$0x5] =	stream.linear.gather [hbm4b:s25+s5], $0xA0, $0x38;
	[tilespmem:$0x19500] =	vst v63  }
0x41: {  	_ =	swait.ge [sflag:s28], $0xA0  }
0x42: {  	[sflag:s28] =	ssyncset.done $0x0  }
0x43: {  	[sflag:s28] =	ssyncadd.s32 $0xFFFFFF60  }
0x44: {  	[tilespmem:s30], [sflag:$0x6] =	stream.indirect.gather [hbm4b:s1+s29], $0x80, s5, s29, $0xb8;
	[tilespmem:$0x19500] =	vst v63  }
0x45: {  	_ =	swait.ge [sflag:s31], $0xA0  }
0x46: {  	[sflag:s31] =	ssyncset.done $0x0  }
0x47: {  	s26 =	simm.s32 $0x5500;
	[sflag:s31] =	ssyncadd.s32 $0xFFFFFF60  }
0x48: {  	[tilespmem:s26], [sflag:$0x7] =	stream.indirect.gather [hbm4b:s1+s29], $0x80, s15, s29, $0xb8;
	[tilespmem:$0x19500] =	vst v63  }
0x49: {  	_ =	swait.ge [sflag:s0], $0xA0  }
0x4a: {  	[sflag:s0] =	ssyncset.done $0x0  }
0x4b: {  	[sflag:s0] =	ssyncadd.s32 $0xFFFFFF60  }
0x4c: {  	[tilespmem:s7], [sflag:$0x8] =	stream.indirect.gather [hbm4b:s1+s29], $0x80, s17, s29, $0xb8;
	[tilespmem:$0x19500] =	vst v63  }
0x4d: {  	_ =	swait.ge [sflag:s8], $0xA0  }
0x4e: {  	[sflag:s8] =	ssyncset.done $0x0  }
0x4f: {  	[sflag:s8] =	ssyncadd.s32 $0xFFFFFF60  }
0x50: {  	[tilespmem:s9], [sflag:$0x9] =	stream.indirect.gather [hbm4b:s1+s29], $0x80, s18, s29, $0xb8;
	[tilespmem:$0x19500] =	vst v63  }
0x51: {  	_ =	swait.ge [sflag:s10], $0xA0  }
0x52: {  	[sflag:s10] =	ssyncset.done $0x0  }
0x53: {  	s15 =	simm.s32 $0x0;
	s18 =	rddreg [dreg:$0x13];
	[sflag:s10] =	ssyncadd.s32 $0xFFFFFF60  }
0x54: {  	[tilespmem:s11], [sflag:$0xA] =	stream.indirect.gather [hbm4b:s1+s29], $0x80, s19, s29, $0xb8;
	[tilespmem:$0x19500] =	vst v63  }
.LBB2_2:
0x55: {  	p0 =	seq.s32 s15, $0x1360;
	s14 =	smov.u32 s15;
	_ =	swait.ge [sflag:s20], $0x5000  }
0x56: {  	s14 =	simm.s32 @p0 $0x1360;
	s17 =	rddreg [dreg:$0x4]  }
0x57: {  	[sflag:s20] =	ssyncset.done $0x0;
	s19 =	sor.u32 s17, s14  }
0x58: {  	[sflag:s20] =	ssyncadd.s32 $0xFFFFB000;
	s17 =	simm.s32 @!p0 $0x0;
	s19 =	smul.u32 $0xA00, s19  }
0x59: {  	[tilespmem:s17], [sflag:$0x1] =	stream.linear.gather @!p0 [hbm4b:s18+s17], $0xA0, $0x38;
	[tilespmem:$0x19500] =	vst v63  }
0x5a: {  	s19 =	sadd.s32 s3, s19  }
0x5b: {  	[hbm4b:s19+s5] =	stream.linear.scatter [tilespmem:s30], [sflag:$0xB], $0x5000, $0x38;
	[tilespmem:$0x19500] =	vst v63  }
0x5c: {  	s19 =	sadd.s32 @p0 s13, s14  }
0x5d: {  	_ =	swait.ge [sflag:s21], $0x5000;
	s19 =	smul.u32 @p0 $0xA00, s19  }
0x5e: {  	s25 =	simm.s32 @p0 $0x0;
	[sflag:s21] =	ssyncset.done $0x0  }
0x5f: {  	s26 =	simm.s32 @p0 $0x5500;
	[sflag:s21] =	ssyncadd.s32 $0xFFFFB000;
	s19 =	sadd.s32 @p0 s3, s19  }
0x60: {  	[hbm4b:s19+s25] =	stream.linear.scatter @p0 [tilespmem:s26], [sflag:$0xC], $0x5000, $0x38;
	[tilespmem:$0x19500] =	vst v63  }
0x61: {  	s19 =	simm.s32 @p0 $0x8  }
0x62: {  	_ =	swait.ge @p0 [sflag:s19], $0x5000  }
0x63: {  	s25 =	rddreg [dreg:$0xa]  }
0x64: {  	s25 =	sadd.s32 @!p0 s25, s14  }
0x65: {  	[sflag:s19] =	ssyncset.done @p0 $0x0;
	s25 =	smul.u32 @!p0 $0x14, s25  }
0x66: {  	[sflag:s19] =	ssyncadd.s32 @p0 $0xFFFFB000;
	s19 =	sadd.s32 @!p0 s13, s14  }
0x67: {  	s26 =	simm.s32 @!p0 $0x100;
	s19 =	smul.u32 @!p0 $0xA00, s19;
	s25 =	sadd.s32 @!p0 s6, s25  }
0x68: {  	[tilespmem:s26], [sflag:$0x2] =	stream.linear.gather @!p0 [hbm4b:s25+s17], $0xA0, $0x38;
	[tilespmem:$0x19500] =	vst v63  }
0x69: {  	s19 =	sadd.s32 @!p0 s3, s19;
	s25 =	simm.s32 @!p0 $0x5500  }
0x6a: {  	[hbm4b:s19+s17] =	stream.linear.scatter @!p0 [tilespmem:s25], [sflag:$0xC], $0x5000, $0x38;
	[tilespmem:$0x19500] =	vst v63  }
0x6b: {  	s19 =	simm.s32 @!p0 $0x8  }
0x6c: {  	_ =	swait.ge @!p0 [sflag:s19], $0x5000  }
0x6d: {  	s25 =	rddreg [dreg:$0xb]  }
0x6e: {  	s25 =	sadd.s32 @!p0 s25, s14  }
0x6f: {  	[sflag:s19] =	ssyncset.done @!p0 $0x0;
	s26 =	rddreg [dreg:$0xc];
	s25 =	smul.u32 @!p0 $0x14, s25  }
0x70: {  	[sflag:s19] =	ssyncadd.s32 @!p0 $0xFFFFB000;
	s19 =	sadd.s32 s26, s14  }
0x71: {  	s26 =	simm.s32 @!p0 $0x200;
	s19 =	smul.u32 $0xA00, s19;
	s25 =	sadd.s32 @!p0 s6, s25  }
0x72: {  	[tilespmem:s26], [sflag:$0x3] =	stream.linear.gather @!p0 [hbm4b:s25+s17], $0xA0, $0x38;
	[tilespmem:$0x19500] =	vst v63  }
0x73: {  	s25 =	sadd.s32 s3, s19  }
0x74: {  	[hbm4b:s25+s5] =	stream.linear.scatter [tilespmem:s7], [sflag:$0xD], $0x5000, $0x38;
	[tilespmem:$0x19500] =	vst v63  }
.Ltmp2:
0x75: {  	_ =	swait.ge [sflag:s22], $0x5000;
	(pc) =	sbr.rel @p0 .LBB2_4-.Ltmp2, $4  }
0x76: {  	s26 =	rddreg [dreg:$0xe]  }
0x77: {  	s17 =	sadd.s32 s26, s14  }
0x78: {  	[sflag:s22] =	ssyncset.done $0x0;
	s19 =	smul.u32 $0xA00, s17  }
0x79: {  	[sflag:s22] =	ssyncadd.s32 $0xFFFFB000  }
0x7a: {  	s17 =	rddreg [dreg:$0xd]  }
0x7b: {  	s17 =	sadd.s32 s17, s14  }
0x7c: {  	s17 =	smul.u32 $0x14, s17;
	_ =	sdelay $0x1  }
0x7d: {  	s25 =	simm.s32 $0x300;
	s17 =	sadd.s32 s6, s17  }
0x7e: {  	[tilespmem:s25], [sflag:$0x4] =	stream.linear.gather [hbm4b:s17+s5], $0xA0, $0x38;
	[tilespmem:$0x19500] =	vst v63  }
0x7f: {  	s26 =	sadd.s32 s3, s19;
	s19 =	rddreg [dreg:$0xf]  }
0x80: {  	[hbm4b:s26+s5] =	stream.linear.scatter [tilespmem:s9], [sflag:$0xE], $0x5000, $0x38;
	[tilespmem:$0x19500] =	vst v63  }
0x81: {  	s17 =	sadd.s32 s19, s14;
	_ =	swait.ge [sflag:s23], $0x5000  }
0x82: {  	s17 =	smul.u32 $0x14, s17;
	s26 =	rddreg [dreg:$0x10]  }
0x83: {  	s19 =	simm.s32 $0x400;
	[sflag:s23] =	ssyncset.done $0x0;
	s26 =	sadd.s32 s26, s14  }
0x84: {  	s17 =	sadd.s32 s6, s17;
	[sflag:s23] =	ssyncadd.s32 $0xFFFFB000;
	s14 =	smul.u32 $0xA00, s26  }
0x85: {  	[tilespmem:s19], [sflag:$0x5] =	stream.linear.gather [hbm4b:s17+s5], $0xA0, $0x38;
	[tilespmem:$0x19500] =	vst v63  }
0x86: {  	s14 =	sadd.s32 s3, s14  }
0x87: {  	[hbm4b:s14+s5] =	stream.linear.scatter [tilespmem:s11], [sflag:$0xF], $0x5000, $0x38;
	[tilespmem:$0x19500] =	vst v63  }
0x88: {  	_ =	swait.ge [sflag:s24], $0x5000  }
0x89: {  	[sflag:s24] =	ssyncset.done $0x0  }
0x8a: {  	[sflag:s24] =	ssyncadd.s32 $0xFFFFB000  }
0x8b: {  	_ =	swait.ge [sflag:s28], $0xA0  }
0x8c: {  	[sflag:s28] =	ssyncset.done $0x0  }
0x8d: {  	[sflag:s28] =	ssyncadd.s32 $0xFFFFFF60  }
0x8e: {  	[tilespmem:s30], [sflag:$0x6] =	stream.indirect.gather [hbm4b:s1+s29], $0x80, s5, s29, $0xb8;
	[tilespmem:$0x19500] =	vst v63  }
0x8f: {  	_ =	swait.ge [sflag:s2], $0x5000  }
0x90: {  	[sflag:s2] =	ssyncset.done $0x0  }
0x91: {  	[sflag:s2] =	ssyncadd.s32 $0xFFFFB000  }
0x92: {  	_ =	swait.ge [sflag:s31], $0xA0  }
0x93: {  	[sflag:s31] =	ssyncset.done $0x0  }
0x94: {  	s17 =	simm.s32 $0x100;
	s26 =	simm.s32 $0x5500;
	[sflag:s31] =	ssyncadd.s32 $0xFFFFFF60  }
0x95: {  	[tilespmem:s26], [sflag:$0x7] =	stream.indirect.gather [hbm4b:s1+s29], $0x80, s17, s29, $0xb8;
	[tilespmem:$0x19500] =	vst v63  }
0x96: {  	_ =	swait.ge [sflag:s4], $0x5000  }
0x97: {  	[sflag:s4] =	ssyncset.done $0x0  }
0x98: {  	[sflag:s4] =	ssyncadd.s32 $0xFFFFB000  }
0x99: {  	_ =	swait.ge [sflag:s0], $0xA0  }
0x9a: {  	[sflag:s0] =	ssyncset.done $0x0  }
0x9b: {  	s26 =	simm.s32 $0x200;
	[sflag:s0] =	ssyncadd.s32 $0xFFFFFF60  }
0x9c: {  	[tilespmem:s7], [sflag:$0x8] =	stream.indirect.gather [hbm4b:s1+s29], $0x80, s26, s29, $0xb8;
	[tilespmem:$0x19500] =	vst v63  }
0x9d: {  	_ =	swait.ge [sflag:s16], $0x5000  }
0x9e: {  	[sflag:s16] =	ssyncset.done $0x0  }
0x9f: {  	[sflag:s16] =	ssyncadd.s32 $0xFFFFB000  }
0xa0: {  	_ =	swait.ge [sflag:s8], $0xA0  }
0xa1: {  	[sflag:s8] =	ssyncset.done $0x0  }
0xa2: {  	[sflag:s8] =	ssyncadd.s32 $0xFFFFFF60  }
0xa3: {  	[tilespmem:s9], [sflag:$0x9] =	stream.indirect.gather [hbm4b:s1+s29], $0x80, s25, s29, $0xb8;
	[tilespmem:$0x19500] =	vst v63  }
0xa4: {  	_ =	swait.ge [sflag:s12], $0x5000  }
0xa5: {  	[sflag:s12] =	ssyncset.done $0x0  }
.Ltmp3:
0xa6: {  	[sflag:s12] =	ssyncadd.s32 $0xFFFFB000;
	(pc) =	sbr.rel .LBB2_2-.Ltmp3, $4  }
0xa7: {  	_ =	swait.ge [sflag:s10], $0xA0  }
0xa8: {  	[sflag:s10] =	ssyncset.done $0x0  }
0xa9: {  	s15 =	sadd.s32 $0xA0, s15;
	s18 =	sadd.s32 $0xC80, s18;
	[sflag:s10] =	ssyncadd.s32 $0xFFFFFF60  }
0xaa: {  	[tilespmem:s11], [sflag:$0xA] =	stream.indirect.gather [hbm4b:s1+s29], $0x80, s19, s29, $0xb8;
	[tilespmem:$0x19500] =	vst v63  }
.LBB2_5:
0xab: {  	_ =	sfence.sel $0x180000  }
0xac: {  	[bflag:$0x0] =	sbarrier.arrive $0xFFFF  }
0xad: {  	_ =	strace $0x90000047  }
0xae: {  	s0 =	stileid.u32;
	[bflag:$0x2] =	sbarrier.arrive $0xFFFF  }
0xaf: {  	p0 =	sne.s32 s0, $0x0;
	s0 =	rddreg [dreg:$0x3]  }
0xb0: {  	s0 =	sadd.s32 @!p0 $0x100000, s0  }
0xb1: {  	[sflag:s0] =	ssyncadd.tile.s32 @!p0 $0x1;
	_ =	shalt  }
.Lfunc_end2:
_tile_overlayer_lowered:
.L_overlay_start_2:
0xb2: {  	(tag) =	ssettag $0x2  }
0xb3: {  	s0 =	rddreg [dreg:$0x0];
	s2 =	stileid.u32  }
0xb4: {  	s1 =	rddreg [dreg:$0x1];
	p0 =	sne.s32 s2, $0x0  }
0xb5: {  	s3 =	rddreg [dreg:$0x2];
	[bflag:$0x3] =	sbarrier.arrive $0xFFFF;
	s2 =	simm.s32 @!p0 $0x1C10  }
0xb6: {  	[timem:s3], [sflag:s2] =	dma.local @!p0 [hbm:s0], s1  }
0xb7: {  	s0 =	simm.s32 @!p0 $0x10  }
0xb8: {  	_ =	swait.ge @!p0 [sflag:s0], s1  }
0xb9: {  	s1 =	ssub.s32 @!p0 $0x0, s1;
	[sflag:s0] =	ssyncset.done @!p0 $0x0  }
0xba: {  	[sflag:s0] =	ssyncadd.s32 @!p0 s1  }
0xbb: {  	[bflag:$0x3] =	sbarrier.arrive $0xFFFF  }
0xbc: {  	_ =	shalt  }

</sc_bundles>
